<compile_context>
chip_gen: v7x
topology: tpu7x:2x2x1
jax: 0.10.2.dev20260603
libtpu: 0.0.44.dev20260713+nightly
codegen_flags: <defaults>
</compile_context>

<pallas_src>
import functools

import jax
import jax.numpy as jnp
from jax import lax
from jax.experimental import pallas as pl
from jax.experimental.pallas import tpu as pltpu, tpu_sc as plsc

B = 16384
IN = 32
HIDDEN = 8192
OUT = 64

BB = 1024
HALF = HIDDEN // 2
CH = 128
NCH_HALF = HALF // CH


def _bf16_rne(v):
    bits = lax.bitcast_convert_type(v, jnp.uint32)
    r = (bits + jnp.uint32(0x7FFF) + ((bits >> 16) & jnp.uint32(1))) \
        & jnp.uint32(0xFFFF0000)
    return lax.bitcast_convert_type(r, jnp.float32)


def _half_argmin(xb, kt2_ref, x2, w2_ref, base):
    acc_v = jnp.full((BB, CH), jnp.inf, dtype=jnp.float32)
    acc_c = jnp.zeros((BB, CH), dtype=jnp.int32)
    for c in range(NCH_HALF):
        lo = base + c * CH
        kc = kt2_ref[:, lo:lo + CH]
        m2x = jnp.dot(xb, kc, preferred_element_type=jnp.float32)
        w2 = w2_ref[0, lo:lo + CH].reshape(1, CH)
        t = x2 + w2
        dist = jnp.sqrt(jnp.maximum(t - m2x, 0.0))
        upd = dist < acc_v
        acc_v = jnp.where(upd, dist, acc_v)
        acc_c = jnp.where(upd, c, acc_c)
    gid = acc_c * CH + lax.broadcasted_iota(jnp.int32, (BB, CH), 1) + base
    run_min = jnp.min(acc_v, axis=1, keepdims=True)
    run_idx = jnp.min(jnp.where(acc_v == run_min, gid, HIDDEN), axis=1,
                      keepdims=True)
    return run_min, run_idx


def _winner_body(x_ref, kt2_ref, x2_ref, w2_ref, win_ref):
    xb = x_ref[...].astype(jnp.bfloat16)
    x2 = x2_ref[0].reshape(BB, 1)
    m1, i1 = _half_argmin(xb, kt2_ref, x2, w2_ref, 0)
    m2, i2 = _half_argmin(xb, kt2_ref, x2, w2_ref, HALF)
    r0 = _bf16_rne(m1)
    win = jnp.where(m2 < r0, i2, i1)
    win_ref[...] = win.reshape(1, 1, BB)


_winner_call = pl.pallas_call(
    _winner_body,
    grid=(B // BB,),
    in_specs=[
        pl.BlockSpec((BB, IN), lambda i: (i, 0)),
        pl.BlockSpec((IN, HIDDEN), lambda i: (0, 0)),
        pl.BlockSpec((1, BB), lambda i: (0, i)),
        pl.BlockSpec((1, HIDDEN), lambda i: (0, 0)),
    ],
    out_specs=pl.BlockSpec((1, 1, BB), lambda i: (i, 0, 0)),
    out_shape=jax.ShapeDtypeStruct((B // BB, 1, BB), jnp.int32),
)


_info = plsc.get_sparse_core_info()
_NC, _NS = _info.num_cores, _info.num_subcores
_NW = _NC * _NS
_BPW = B // _NW
_DPAD = 128
_CHI = 128
_NCHI = _BPW // _CHI

_mesh = plsc.VectorSubcoreMesh(core_axis_name="c", subcore_axis_name="s")


@functools.partial(
    pl.kernel,
    mesh=_mesh,
    out_type=jax.ShapeDtypeStruct((B, _DPAD), jnp.float32),
    scratch_types=[
        pltpu.VMEM((_NCHI, _CHI), jnp.int32),
        pltpu.VMEM((_BPW, _DPAD), jnp.float32),
        pltpu.SemaphoreType.DMA,
    ],
)
def _gather_call(table_hbm, idx_hbm, out_hbm, idx_v, rows_v, sem):
    wid = lax.axis_index("s") * _NC + lax.axis_index("c")
    pltpu.sync_copy(idx_hbm.at[wid], idx_v)
    handles = [
        pltpu.async_copy(
            table_hbm.at[idx_v.at[j]],
            rows_v.at[pl.ds(j * _CHI, _CHI)],
            sem,
        )
        for j in range(_NCHI)
    ]
    for h in handles:
        h.wait()
    pltpu.sync_copy(rows_v, out_hbm.at[pl.ds(wid * _BPW, _BPW)])


def kernel(x, kohonen_weights, grossberg_weights):
    x2 = jnp.sum(x * x, axis=1)[None, :]
    w2 = jnp.sum(kohonen_weights * kohonen_weights, axis=1)[None, :]
    kt2 = kohonen_weights.T.astype(jnp.bfloat16) * jnp.bfloat16(2.0)
    winners = _winner_call(x, kt2, x2, w2).reshape(B)
    table = jnp.pad(grossberg_weights.T, ((0, 0), (0, _DPAD - OUT)))
    output = _gather_call(table, winners.reshape(_NW, _NCHI, _CHI))[:, :OUT]
    return (output, winners)

# --- scband reference (transcript-rebuilt; emitter-appended) ---
"""Pipeline reference for scband-counter-propagation-network-85650237817447 (READ-ONLY COPY).

The authoritative reference and input builder live on the scoring server;
editing this copy changes nothing except your own understanding.
"""

import jax, jax.numpy as jnp
import numpy as np

B = 16384
IN = 32
HIDDEN = 8192
OUT = 64

def setup_inputs(seed: int = 0) -> dict:
    key = jax.random.key(seed)
    k1, k2, k3 = jax.random.split(key, 3)
    x = jax.random.normal(k1, (B, IN), dtype=jnp.float32)
    # xavier_uniform init: limit = sqrt(6 / (fan_in + fan_out))
    lim_k = float(np.sqrt(6.0 / (IN + HIDDEN)))
    kohonen_weights = jax.random.uniform(k2, (HIDDEN, IN), minval=-lim_k, maxval=lim_k, dtype=jnp.float32)
    lim_g = float(np.sqrt(6.0 / (HIDDEN + OUT)))
    grossberg_weights = jax.random.uniform(k3, (OUT, HIDDEN), minval=-lim_g, maxval=lim_g, dtype=jnp.float32)
    return {"x": x, "kohonen_weights": kohonen_weights, "grossberg_weights": grossberg_weights}

def reference(x, kohonen_weights, grossberg_weights):
    # Euclidean cdist(x, kohonen_weights): ||x||^2 + ||w||^2 - 2 x w^T
    x2 = jnp.sum(x * x, axis=1, keepdims=True)
    w2 = jnp.sum(kohonen_weights * kohonen_weights, axis=1)[None, :]
    d2 = jnp.maximum(x2 + w2 - 2.0 * (x @ kohonen_weights.T), 0.0)
    distances = jnp.sqrt(d2)
    winner_indices = jnp.argmin(distances, axis=1)
    winner_one_hot = jax.nn.one_hot(winner_indices, kohonen_weights.shape[0], dtype=x.dtype)
    output = winner_one_hot @ grossberg_weights.T
    return (output, winner_indices)

if __name__ == "__main__":
    import jax
    _d = setup_inputs()
    print(jax.jit(kernel)(*tuple(_d.values())))

</pallas_src>

<mosaic_0001>
#map = affine_map<(d0, d1) -> (0, 0)>
#map1 = affine_map<(d0, d1) -> (0, 0, 0)>
module attributes {stable_mosaic.version = 14 : i64} {
  func.func @_gather_call(%arg0: i32, %arg1: i32, %arg2: memref<8192x128xf32, #tpu.memory_space<hbm>>, %arg3: memref<32x4x128xi32, #tpu.memory_space<hbm>>, %arg4: memref<16384x128xf32, #tpu.memory_space<hbm>>, %arg5: memref<4x128xi32, #tpu.memory_space<vmem>>, %arg6: memref<512x128xf32, #tpu.memory_space<vmem>>, %arg7: memref<!tpu.dma_semaphore, #tpu.memory_space<semaphore_mem>>) attributes {dimension_semantics = [#tpu.dimension_semantics<core_parallel>, #tpu.dimension_semantics<subcore_parallel>], iteration_bounds = array<i64: 2, 16>, scalar_prefetch = 0 : i64, scratch_operands = 3 : i64, tpu.core_type = #tpu.core_type<sc_vector_subcore>, window_params = [{transform_indices = #map}, {transform_indices = #map1}, {transform_indices = #map}]} {
    %mul3A = arith.constant 2 : i32
    %mul3A_0 = arith.muli %arg1, %mul3A : i32
    %add3A = arith.addi %mul3A_0, %arg0 : i32
    "tpu.region"() ({
      %run_scoped3A = tpu.sem_alloc : memref<!tpu.dma_semaphore, #tpu.memory_space<semaphore_mem>>
      %dma_start3A_81 = arith.constant 0 : i32
      %dma_start3A_82 = arith.constant 0 : i32
      %dma_start3A_83 = tpu.memref_slice %arg3[%add3A, %dma_start3A_81, %dma_start3A_82] : memref<32x4x128xi32, #tpu.memory_space<hbm>> -> memref<1x4x128xi32, #tpu.memory_space<hbm>>
      %dma_start3A_84 = tpu.memref_squeeze %dma_start3A_83 : memref<1x4x128xi32, #tpu.memory_space<hbm>> -> memref<4x128xi32, #tpu.memory_space<hbm>>
      %dma_start3A_85 = arith.constant 0 : i32
      %dma_start3A_86 = arith.constant 0 : i32
      %dma_start3A_87 = tpu.memref_slice %arg3[%add3A, %dma_start3A_85, %dma_start3A_86] : memref<32x4x128xi32, #tpu.memory_space<hbm>> -> memref<1x4x128xi32, #tpu.memory_space<hbm>>
      %dma_start3A_88 = tpu.memref_squeeze %dma_start3A_87 : memref<1x4x128xi32, #tpu.memory_space<hbm>> -> memref<4x128xi32, #tpu.memory_space<hbm>>
      tpu.enqueue_dma source(%dma_start3A_88 : memref<4x128xi32, #tpu.memory_space<hbm>>) target(%arg5 : memref<4x128xi32, #tpu.memory_space<vmem>>) target_semaphore(%run_scoped3A : memref<!tpu.dma_semaphore, #tpu.memory_space<semaphore_mem>>)
      %dma_wait3A_89 = arith.constant 0 : i32
      %dma_wait3A_90 = arith.constant 0 : i32
      %dma_wait3A_91 = tpu.memref_slice %arg3[%add3A, %dma_wait3A_89, %dma_wait3A_90] : memref<32x4x128xi32, #tpu.memory_space<hbm>> -> memref<1x4x128xi32, #tpu.memory_space<hbm>>
      %dma_wait3A_92 = tpu.memref_squeeze %dma_wait3A_91 : memref<1x4x128xi32, #tpu.memory_space<hbm>> -> memref<4x128xi32, #tpu.memory_space<hbm>>
      %dma_wait3A_93 = arith.constant 0 : i32
      %dma_wait3A_94 = arith.constant 0 : i32
      %dma_wait3A_95 = tpu.memref_slice %arg3[%add3A, %dma_wait3A_93, %dma_wait3A_94] : memref<32x4x128xi32, #tpu.memory_space<hbm>> -> memref<1x4x128xi32, #tpu.memory_space<hbm>>
      %dma_wait3A_96 = tpu.memref_squeeze %dma_wait3A_95 : memref<1x4x128xi32, #tpu.memory_space<hbm>> -> memref<4x128xi32, #tpu.memory_space<hbm>>
      tpu.wait_dma2 semaphore(%run_scoped3A : memref<!tpu.dma_semaphore, #tpu.memory_space<semaphore_mem>>) src(%dma_wait3A_96 : memref<4x128xi32, #tpu.memory_space<hbm>>) dst(%arg5 : memref<4x128xi32, #tpu.memory_space<vmem>>)
      tpu.yield
    }) : () -> ()
    %dma_start3A = arith.constant 0 : i32
    %dma_start3A_1 = arith.constant 0 : i32
    %dma_start3A_2 = arith.constant 0 : i32
    %dma_start3A_3 = tpu.memref_slice %arg6[%dma_start3A_1, %dma_start3A_2] : memref<512x128xf32, #tpu.memory_space<vmem>> -> memref<128x128xf32, #tpu.memory_space<vmem>>
    %dma_start3A_4 = arith.constant 0 : i32
    %dma_start3A_5 = tpu.memref_slice %arg5[%dma_start3A, %dma_start3A_4] : memref<4x128xi32, #tpu.memory_space<vmem>> -> memref<1x128xi32, #tpu.memory_space<vmem>>
    %dma_start3A_6 = tpu.memref_squeeze %dma_start3A_5 : memref<1x128xi32, #tpu.memory_space<vmem>> -> memref<128xi32, #tpu.memory_space<vmem>>
    %dma_start3A_7 = arith.constant 0 : i32
    %dma_start3A_8 = arith.constant 0 : i32
    %dma_start3A_9 = tpu.memref_slice %arg2[%dma_start3A_7, %dma_start3A_8] : memref<8192x128xf32, #tpu.memory_space<hbm>> -> memref<8192x128xf32, #tpu.memory_space<hbm>>
    tpu.enqueue_indirect_dma source(%dma_start3A_9 : memref<8192x128xf32, #tpu.memory_space<hbm>>) target(%dma_start3A_3 : memref<128x128xf32, #tpu.memory_space<vmem>>) offsets(%dma_start3A_6 : memref<128xi32, #tpu.memory_space<vmem>>) semaphore(%arg7 : memref<!tpu.dma_semaphore, #tpu.memory_space<semaphore_mem>>)
    %dma_start3A_10 = arith.constant 1 : i32
    %dma_start3A_11 = arith.constant 128 : i32
    %dma_start3A_12 = arith.constant 0 : i32
    %dma_start3A_13 = tpu.memref_slice %arg6[%dma_start3A_11, %dma_start3A_12] : memref<512x128xf32, #tpu.memory_space<vmem>> -> memref<128x128xf32, #tpu.memory_space<vmem>>
    %dma_start3A_14 = arith.constant 0 : i32
    %dma_start3A_15 = tpu.memref_slice %arg5[%dma_start3A_10, %dma_start3A_14] : memref<4x128xi32, #tpu.memory_space<vmem>> -> memref<1x128xi32, #tpu.memory_space<vmem>>
    %dma_start3A_16 = tpu.memref_squeeze %dma_start3A_15 : memref<1x128xi32, #tpu.memory_space<vmem>> -> memref<128xi32, #tpu.memory_space<vmem>>
    %dma_start3A_17 = arith.constant 0 : i32
    %dma_start3A_18 = arith.constant 0 : i32
    %dma_start3A_19 = tpu.memref_slice %arg2[%dma_start3A_17, %dma_start3A_18] : memref<8192x128xf32, #tpu.memory_space<hbm>> -> memref<8192x128xf32, #tpu.memory_space<hbm>>
    tpu.enqueue_indirect_dma source(%dma_start3A_19 : memref<8192x128xf32, #tpu.memory_space<hbm>>) target(%dma_start3A_13 : memref<128x128xf32, #tpu.memory_space<vmem>>) offsets(%dma_start3A_16 : memref<128xi32, #tpu.memory_space<vmem>>) semaphore(%arg7 : memref<!tpu.dma_semaphore, #tpu.memory_space<semaphore_mem>>)
    %dma_start3A_20 = arith.constant 2 : i32
    %dma_start3A_21 = arith.constant 256 : i32
    %dma_start3A_22 = arith.constant 0 : i32
    %dma_start3A_23 = tpu.memref_slice %arg6[%dma_start3A_21, %dma_start3A_22] : memref<512x128xf32, #tpu.memory_space<vmem>> -> memref<128x128xf32, #tpu.memory_space<vmem>>
    %dma_start3A_24 = arith.constant 0 : i32
    %dma_start3A_25 = tpu.memref_slice %arg5[%dma_start3A_20, %dma_start3A_24] : memref<4x128xi32, #tpu.memory_space<vmem>> -> memref<1x128xi32, #tpu.memory_space<vmem>>
    %dma_start3A_26 = tpu.memref_squeeze %dma_start3A_25 : memref<1x128xi32, #tpu.memory_space<vmem>> -> memref<128xi32, #tpu.memory_space<vmem>>
    %dma_start3A_27 = arith.constant 0 : i32
    %dma_start3A_28 = arith.constant 0 : i32
    %dma_start3A_29 = tpu.memref_slice %arg2[%dma_start3A_27, %dma_start3A_28] : memref<8192x128xf32, #tpu.memory_space<hbm>> -> memref<8192x128xf32, #tpu.memory_space<hbm>>
    tpu.enqueue_indirect_dma source(%dma_start3A_29 : memref<8192x128xf32, #tpu.memory_space<hbm>>) target(%dma_start3A_23 : memref<128x128xf32, #tpu.memory_space<vmem>>) offsets(%dma_start3A_26 : memref<128xi32, #tpu.memory_space<vmem>>) semaphore(%arg7 : memref<!tpu.dma_semaphore, #tpu.memory_space<semaphore_mem>>)
    %dma_start3A_30 = arith.constant 3 : i32
    %dma_start3A_31 = arith.constant 384 : i32
    %dma_start3A_32 = arith.constant 0 : i32
    %dma_start3A_33 = tpu.memref_slice %arg6[%dma_start3A_31, %dma_start3A_32] : memref<512x128xf32, #tpu.memory_space<vmem>> -> memref<128x128xf32, #tpu.memory_space<vmem>>
    %dma_start3A_34 = arith.constant 0 : i32
    %dma_start3A_35 = tpu.memref_slice %arg5[%dma_start3A_30, %dma_start3A_34] : memref<4x128xi32, #tpu.memory_space<vmem>> -> memref<1x128xi32, #tpu.memory_space<vmem>>
    %dma_start3A_36 = tpu.memref_squeeze %dma_start3A_35 : memref<1x128xi32, #tpu.memory_space<vmem>> -> memref<128xi32, #tpu.memory_space<vmem>>
    %dma_start3A_37 = arith.constant 0 : i32
    %dma_start3A_38 = arith.constant 0 : i32
    %dma_start3A_39 = tpu.memref_slice %arg2[%dma_start3A_37, %dma_start3A_38] : memref<8192x128xf32, #tpu.memory_space<hbm>> -> memref<8192x128xf32, #tpu.memory_space<hbm>>
    tpu.enqueue_indirect_dma source(%dma_start3A_39 : memref<8192x128xf32, #tpu.memory_space<hbm>>) target(%dma_start3A_33 : memref<128x128xf32, #tpu.memory_space<vmem>>) offsets(%dma_start3A_36 : memref<128xi32, #tpu.memory_space<vmem>>) semaphore(%arg7 : memref<!tpu.dma_semaphore, #tpu.memory_space<semaphore_mem>>)
    %dma_wait3A = arith.constant 0 : i32
    %dma_wait3A_40 = arith.constant 0 : i32
    %dma_wait3A_41 = arith.constant 0 : i32
    %dma_wait3A_42 = tpu.memref_slice %arg6[%dma_wait3A_40, %dma_wait3A_41] : memref<512x128xf32, #tpu.memory_space<vmem>> -> memref<128x128xf32, #tpu.memory_space<vmem>>
    %dma_wait3A_43 = arith.constant 0 : i32
    %dma_wait3A_44 = tpu.memref_slice %arg5[%dma_wait3A, %dma_wait3A_43] : memref<4x128xi32, #tpu.memory_space<vmem>> -> memref<1x128xi32, #tpu.memory_space<vmem>>
    %dma_wait3A_45 = tpu.memref_squeeze %dma_wait3A_44 : memref<1x128xi32, #tpu.memory_space<vmem>> -> memref<128xi32, #tpu.memory_space<vmem>>
    %dma_wait3A_46 = arith.constant 0 : i32
    %dma_wait3A_47 = arith.constant 0 : i32
    %dma_wait3A_48 = tpu.memref_slice %arg2[%dma_wait3A_46, %dma_wait3A_47] : memref<8192x128xf32, #tpu.memory_space<hbm>> -> memref<8192x128xf32, #tpu.memory_space<hbm>>
    tpu.wait_indirect_dma semaphore(%arg7 : memref<!tpu.dma_semaphore, #tpu.memory_space<semaphore_mem>>) src(%dma_wait3A_48 : memref<8192x128xf32, #tpu.memory_space<hbm>>) dst(%dma_wait3A_42 : memref<128x128xf32, #tpu.memory_space<vmem>>)
    %dma_wait3A_49 = arith.constant 1 : i32
    %dma_wait3A_50 = arith.constant 128 : i32
    %dma_wait3A_51 = arith.constant 0 : i32
    %dma_wait3A_52 = tpu.memref_slice %arg6[%dma_wait3A_50, %dma_wait3A_51] : memref<512x128xf32, #tpu.memory_space<vmem>> -> memref<128x128xf32, #tpu.memory_space<vmem>>
    %dma_wait3A_53 = arith.constant 0 : i32
    %dma_wait3A_54 = tpu.memref_slice %arg5[%dma_wait3A_49, %dma_wait3A_53] : memref<4x128xi32, #tpu.memory_space<vmem>> -> memref<1x128xi32, #tpu.memory_space<vmem>>
    %dma_wait3A_55 = tpu.memref_squeeze %dma_wait3A_54 : memref<1x128xi32, #tpu.memory_space<vmem>> -> memref<128xi32, #tpu.memory_space<vmem>>
    %dma_wait3A_56 = arith.constant 0 : i32
    %dma_wait3A_57 = arith.constant 0 : i32
    %dma_wait3A_58 = tpu.memref_slice %arg2[%dma_wait3A_56, %dma_wait3A_57] : memref<8192x128xf32, #tpu.memory_space<hbm>> -> memref<8192x128xf32, #tpu.memory_space<hbm>>
    tpu.wait_indirect_dma semaphore(%arg7 : memref<!tpu.dma_semaphore, #tpu.memory_space<semaphore_mem>>) src(%dma_wait3A_58 : memref<8192x128xf32, #tpu.memory_space<hbm>>) dst(%dma_wait3A_52 : memref<128x128xf32, #tpu.memory_space<vmem>>)
    %dma_wait3A_59 = arith.constant 2 : i32
    %dma_wait3A_60 = arith.constant 256 : i32
    %dma_wait3A_61 = arith.constant 0 : i32
    %dma_wait3A_62 = tpu.memref_slice %arg6[%dma_wait3A_60, %dma_wait3A_61] : memref<512x128xf32, #tpu.memory_space<vmem>> -> memref<128x128xf32, #tpu.memory_space<vmem>>
    %dma_wait3A_63 = arith.constant 0 : i32
    %dma_wait3A_64 = tpu.memref_slice %arg5[%dma_wait3A_59, %dma_wait3A_63] : memref<4x128xi32, #tpu.memory_space<vmem>> -> memref<1x128xi32, #tpu.memory_space<vmem>>
    %dma_wait3A_65 = tpu.memref_squeeze %dma_wait3A_64 : memref<1x128xi32, #tpu.memory_space<vmem>> -> memref<128xi32, #tpu.memory_space<vmem>>
    %dma_wait3A_66 = arith.constant 0 : i32
    %dma_wait3A_67 = arith.constant 0 : i32
    %dma_wait3A_68 = tpu.memref_slice %arg2[%dma_wait3A_66, %dma_wait3A_67] : memref<8192x128xf32, #tpu.memory_space<hbm>> -> memref<8192x128xf32, #tpu.memory_space<hbm>>
    tpu.wait_indirect_dma semaphore(%arg7 : memref<!tpu.dma_semaphore, #tpu.memory_space<semaphore_mem>>) src(%dma_wait3A_68 : memref<8192x128xf32, #tpu.memory_space<hbm>>) dst(%dma_wait3A_62 : memref<128x128xf32, #tpu.memory_space<vmem>>)
    %dma_wait3A_69 = arith.constant 3 : i32
    %dma_wait3A_70 = arith.constant 384 : i32
    %dma_wait3A_71 = arith.constant 0 : i32
    %dma_wait3A_72 = tpu.memref_slice %arg6[%dma_wait3A_70, %dma_wait3A_71] : memref<512x128xf32, #tpu.memory_space<vmem>> -> memref<128x128xf32, #tpu.memory_space<vmem>>
    %dma_wait3A_73 = arith.constant 0 : i32
    %dma_wait3A_74 = tpu.memref_slice %arg5[%dma_wait3A_69, %dma_wait3A_73] : memref<4x128xi32, #tpu.memory_space<vmem>> -> memref<1x128xi32, #tpu.memory_space<vmem>>
    %dma_wait3A_75 = tpu.memref_squeeze %dma_wait3A_74 : memref<1x128xi32, #tpu.memory_space<vmem>> -> memref<128xi32, #tpu.memory_space<vmem>>
    %dma_wait3A_76 = arith.constant 0 : i32
    %dma_wait3A_77 = arith.constant 0 : i32
    %dma_wait3A_78 = tpu.memref_slice %arg2[%dma_wait3A_76, %dma_wait3A_77] : memref<8192x128xf32, #tpu.memory_space<hbm>> -> memref<8192x128xf32, #tpu.memory_space<hbm>>
    tpu.wait_indirect_dma semaphore(%arg7 : memref<!tpu.dma_semaphore, #tpu.memory_space<semaphore_mem>>) src(%dma_wait3A_78 : memref<8192x128xf32, #tpu.memory_space<hbm>>) dst(%dma_wait3A_72 : memref<128x128xf32, #tpu.memory_space<vmem>>)
    %mul3A_79 = arith.constant 512 : i32
    %mul3A_80 = arith.muli %add3A, %mul3A_79 : i32
    "tpu.region"() ({
      %run_scoped3A = tpu.sem_alloc : memref<!tpu.dma_semaphore, #tpu.memory_space<semaphore_mem>>
      %dma_start3A_81 = arith.constant 0 : i32
      %dma_start3A_82 = tpu.memref_slice %arg4[%mul3A_80, %dma_start3A_81] : memref<16384x128xf32, #tpu.memory_space<hbm>> -> memref<512x128xf32, #tpu.memory_space<hbm>>
      %dma_start3A_83 = arith.constant 0 : i32
      %dma_start3A_84 = tpu.memref_slice %arg4[%mul3A_80, %dma_start3A_83] : memref<16384x128xf32, #tpu.memory_space<hbm>> -> memref<512x128xf32, #tpu.memory_space<hbm>>
      tpu.enqueue_dma source(%arg6 : memref<512x128xf32, #tpu.memory_space<vmem>>) target(%dma_start3A_84 : memref<512x128xf32, #tpu.memory_space<hbm>>) target_semaphore(%run_scoped3A : memref<!tpu.dma_semaphore, #tpu.memory_space<semaphore_mem>>)
      %dma_wait3A_85 = arith.constant 0 : i32
      %dma_wait3A_86 = tpu.memref_slice %arg4[%mul3A_80, %dma_wait3A_85] : memref<16384x128xf32, #tpu.memory_space<hbm>> -> memref<512x128xf32, #tpu.memory_space<hbm>>
      %dma_wait3A_87 = arith.constant 0 : i32
      %dma_wait3A_88 = tpu.memref_slice %arg4[%mul3A_80, %dma_wait3A_87] : memref<16384x128xf32, #tpu.memory_space<hbm>> -> memref<512x128xf32, #tpu.memory_space<hbm>>
      tpu.wait_dma2 semaphore(%run_scoped3A : memref<!tpu.dma_semaphore, #tpu.memory_space<semaphore_mem>>) src(%arg6 : memref<512x128xf32, #tpu.memory_space<vmem>>) dst(%dma_wait3A_88 : memref<512x128xf32, #tpu.memory_space<hbm>>)
      tpu.yield
    }) : () -> ()
    return
  }
}

module attributes {stable_mosaic.version = 14 : i64} {
  func.func @_winner_body(%arg0: i32, %arg1: memref<1024x32xf32, #tpu.memory_space<vmem>>, %arg2: memref<32x8192xbf16, #tpu.memory_space<vmem>>, %arg3: memref<1x1024xf32, #tpu.memory_space<vmem>>, %arg4: memref<1x8192xf32, #tpu.memory_space<vmem>>, %arg5: memref<1x1x1024xi32, #tpu.memory_space<vmem>>) attributes {dimension_semantics = [#tpu.dimension_semantics<arbitrary>], iteration_bounds = array<i64: 16>, scalar_prefetch = 0 : i64, scratch_operands = 0 : i64, tpu.core_type = #tpu.core_type<tc>, window_params = [{transform_indices = @transform_0, window_bounds = array<i64: 1024, 32>}, {pipeline_mode = #tpu.pipeline_mode<synchronous>, transform_indices = @transform_1, window_bounds = array<i64: 32, 8192>}, {transform_indices = @transform_2, window_bounds = array<i64: 1, 1024>}, {pipeline_mode = #tpu.pipeline_mode<synchronous>, transform_indices = @transform_3, window_bounds = array<i64: 1, 8192>}, {transform_indices = @transform_4, window_bounds = array<i64: 1, 1, 1024>}]} {
    %get3A = arith.constant 0 : index
    %get3A_0 = arith.constant 0 : index
    %get3A_1 = vector.load %arg1[%get3A, %get3A_0] : memref<1024x32xf32, #tpu.memory_space<vmem>>, vector<1024x32xf32>
    %convert_element_type3A = arith.truncf %get3A_1 : vector<1024x32xf32> to vector<1024x32xbf16>
    %get3A_2 = arith.constant 0 : index
    %get3A_3 = arith.constant 0 : index
    %get3A_4 = vector.load %arg3[%get3A_2, %get3A_3] : memref<1x1024xf32, #tpu.memory_space<vmem>>, vector<1x1024xf32>
    %get3A_5 = vector.shape_cast %get3A_4 : vector<1x1024xf32> to vector<1024xf32>
    %reshape3A = vector.shape_cast %get3A_5 : vector<1024xf32> to vector<1024x1xf32>
    %broadcast_in_dim3A = arith.constant 0x7F800000 : f32
    %broadcast_in_dim3A_6 = vector.broadcast %broadcast_in_dim3A : f32 to vector<1024x128xf32>
    %broadcast_in_dim3A_7 = arith.constant 0 : i32
    %broadcast_in_dim3A_8 = vector.broadcast %broadcast_in_dim3A_7 : i32 to vector<1024x128xi32>
    %get3A_9 = arith.constant 0 : index
    %get3A_10 = arith.constant 0 : index
    %get3A_11 = vector.load %arg2[%get3A_9, %get3A_10] : memref<32x8192xbf16, #tpu.memory_space<vmem>>, vector<32x128xbf16>
    %dot_general3A = arith.constant dense<0.000000e+00> : vector<1024x128xf32>
    %dot_general3A_12 = tpu.matmul %convert_element_type3A, %get3A_11, %dot_general3A {dimension_numbers = #tpu.dot_dimension_numbers<[1], [0], [0], [1], [0, 0, 1, 1], [], []>, transpose_lhs_hint = false} : vector<1024x32xbf16>, vector<32x128xbf16>, vector<1024x128xf32> -> vector<1024x128xf32>
    %get3A_13 = arith.constant 0 : index
    %get3A_14 = arith.constant 0 : index
    %get3A_15 = vector.load %arg4[%get3A_13, %get3A_14] : memref<1x8192xf32, #tpu.memory_space<vmem>>, vector<1x128xf32>
    %get3A_16 = vector.shape_cast %get3A_15 : vector<1x128xf32> to vector<128xf32>
    %reshape3A_17 = vector.shape_cast %get3A_16 : vector<128xf32> to vector<1x128xf32>
    %add3A = vector.broadcast %reshape3A : vector<1024x1xf32> to vector<1024x128xf32>
    %add3A_18 = vector.broadcast %reshape3A_17 : vector<1x128xf32> to vector<1024x128xf32>
    %add3A_19 = arith.addf %add3A, %add3A_18 : vector<1024x128xf32>
    %sub3A = arith.subf %add3A_19, %dot_general3A_12 : vector<1024x128xf32>
    %max3A = arith.constant 0.000000e+00 : f32
    %max3A_20 = vector.broadcast %max3A : f32 to vector<1024x128xf32>
    %max3A_21 = arith.maximumf %sub3A, %max3A_20 : vector<1024x128xf32>
    %sqrt3A = math.sqrt %max3A_21 : vector<1024x128xf32>
    %lt3A = arith.cmpf olt, %sqrt3A, %broadcast_in_dim3A_6 : vector<1024x128xf32>
    %select_n3A = arith.select %lt3A, %sqrt3A, %broadcast_in_dim3A_6 : vector<1024x128xi1>, vector<1024x128xf32>
    %jit3A = arith.constant 0 : i32
    %broadcast_in_dim3A_22 = vector.broadcast %jit3A : i32 to vector<1024x128xi32>
    %select_n3A_23 = arith.select %lt3A, %broadcast_in_dim3A_22, %broadcast_in_dim3A_8 : vector<1024x128xi1>, vector<1024x128xi32>
    %get3A_24 = arith.constant 0 : index
    %get3A_25 = arith.constant 128 : index
    %get3A_26 = vector.load %arg2[%get3A_24, %get3A_25] : memref<32x8192xbf16, #tpu.memory_space<vmem>>, vector<32x128xbf16>
    %dot_general3A_27 = arith.constant dense<0.000000e+00> : vector<1024x128xf32>
    %dot_general3A_28 = tpu.matmul %convert_element_type3A, %get3A_26, %dot_general3A_27 {dimension_numbers = #tpu.dot_dimension_numbers<[1], [0], [0], [1], [0, 0, 1, 1], [], []>, transpose_lhs_hint = false} : vector<1024x32xbf16>, vector<32x128xbf16>, vector<1024x128xf32> -> vector<1024x128xf32>
    %get3A_29 = arith.constant 0 : index
    %get3A_30 = arith.constant 128 : index
    %get3A_31 = vector.load %arg4[%get3A_29, %get3A_30] : memref<1x8192xf32, #tpu.memory_space<vmem>>, vector<1x128xf32>
    %get3A_32 = vector.shape_cast %get3A_31 : vector<1x128xf32> to vector<128xf32>
    %reshape3A_33 = vector.shape_cast %get3A_32 : vector<128xf32> to vector<1x128xf32>
    %add3A_34 = vector.broadcast %reshape3A : vector<1024x1xf32> to vector<1024x128xf32>
    %add3A_35 = vector.broadcast %reshape3A_33 : vector<1x128xf32> to vector<1024x128xf32>
    %add3A_36 = arith.addf %add3A_34, %add3A_35 : vector<1024x128xf32>
    %sub3A_37 = arith.subf %add3A_36, %dot_general3A_28 : vector<1024x128xf32>
    %max3A_38 = arith.constant 0.000000e+00 : f32
    %max3A_39 = vector.broadcast %max3A_38 : f32 to vector<1024x128xf32>
    %max3A_40 = arith.maximumf %sub3A_37, %max3A_39 : vector<1024x128xf32>
    %sqrt3A_41 = math.sqrt %max3A_40 : vector<1024x128xf32>
    %lt3A_42 = arith.cmpf olt, %sqrt3A_41, %select_n3A : vector<1024x128xf32>
    %select_n3A_43 = arith.select %lt3A_42, %sqrt3A_41, %select_n3A : vector<1024x128xi1>, vector<1024x128xf32>
    %jit3A_44 = arith.constant 1 : i32
    %broadcast_in_dim3A_45 = vector.broadcast %jit3A_44 : i32 to vector<1024x128xi32>
    %select_n3A_46 = arith.select %lt3A_42, %broadcast_in_dim3A_45, %select_n3A_23 : vector<1024x128xi1>, vector<1024x128xi32>
    %get3A_47 = arith.constant 0 : index
    %get3A_48 = arith.constant 256 : index
    %get3A_49 = vector.load %arg2[%get3A_47, %get3A_48] : memref<32x8192xbf16, #tpu.memory_space<vmem>>, vector<32x128xbf16>
    %dot_general3A_50 = arith.constant dense<0.000000e+00> : vector<1024x128xf32>
    %dot_general3A_51 = tpu.matmul %convert_element_type3A, %get3A_49, %dot_general3A_50 {dimension_numbers = #tpu.dot_dimension_numbers<[1], [0], [0], [1], [0, 0, 1, 1], [], []>, transpose_lhs_hint = false} : vector<1024x32xbf16>, vector<32x128xbf16>, vector<1024x128xf32> -> vector<1024x128xf32>
    %get3A_52 = arith.constant 0 : index
    %get3A_53 = arith.constant 256 : index
    %get3A_54 = vector.load %arg4[%get3A_52, %get3A_53] : memref<1x8192xf32, #tpu.memory_space<vmem>>, vector<1x128xf32>
    %get3A_55 = vector.shape_cast %get3A_54 : vector<1x128xf32> to vector<128xf32>
    %reshape3A_56 = vector.shape_cast %get3A_55 : vector<128xf32> to vector<1x128xf32>
    %add3A_57 = vector.broadcast %reshape3A : vector<1024x1xf32> to vector<1024x128xf32>
    %add3A_58 = vector.broadcast %reshape3A_56 : vector<1x128xf32> to vector<1024x128xf32>
    %add3A_59 = arith.addf %add3A_57, %add3A_58 : vector<1024x128xf32>
    %sub3A_60 = arith.subf %add3A_59, %dot_general3A_51 : vector<1024x128xf32>
    %max3A_61 = arith.constant 0.000000e+00 : f32
    %max3A_62 = vector.broadcast %max3A_61 : f32 to vector<1024x128xf32>
    %max3A_63 = arith.maximumf %sub3A_60, %max3A_62 : vector<1024x128xf32>
    %sqrt3A_64 = math.sqrt %max3A_63 : vector<1024x128xf32>
    %lt3A_65 = arith.cmpf olt, %sqrt3A_64, %select_n3A_43 : vector<1024x128xf32>
    %select_n3A_66 = arith.select %lt3A_65, %sqrt3A_64, %select_n3A_43 : vector<1024x128xi1>, vector<1024x128xf32>
    %jit3A_67 = arith.constant 2 : i32
    %broadcast_in_dim3A_68 = vector.broadcast %jit3A_67 : i32 to vector<1024x128xi32>
    %select_n3A_69 = arith.select %lt3A_65, %broadcast_in_dim3A_68, %select_n3A_46 : vector<1024x128xi1>, vector<1024x128xi32>
    %get3A_70 = arith.constant 0 : index
    %get3A_71 = arith.constant 384 : index
    %get3A_72 = vector.load %arg2[%get3A_70, %get3A_71] : memref<32x8192xbf16, #tpu.memory_space<vmem>>, vector<32x128xbf16>
    %dot_general3A_73 = arith.constant dense<0.000000e+00> : vector<1024x128xf32>
    %dot_general3A_74 = tpu.matmul %convert_element_type3A, %get3A_72, %dot_general3A_73 {dimension_numbers = #tpu.dot_dimension_numbers<[1], [0], [0], [1], [0, 0, 1, 1], [], []>, transpose_lhs_hint = false} : vector<1024x32xbf16>, vector<32x128xbf16>, vector<1024x128xf32> -> vector<1024x128xf32>
    %get3A_75 = arith.constant 0 : index
    %get3A_76 = arith.constant 384 : index
    %get3A_77 = vector.load %arg4[%get3A_75, %get3A_76] : memref<1x8192xf32, #tpu.memory_space<vmem>>, vector<1x128xf32>
    %get3A_78 = vector.shape_cast %get3A_77 : vector<1x128xf32> to vector<128xf32>
    %reshape3A_79 = vector.shape_cast %get3A_78 : vector<128xf32> to vector<1x128xf32>
    %add3A_80 = vector.broadcast %reshape3A : vector<1024x1xf32> to vector<1024x128xf32>
    %add3A_81 = vector.broadcast %reshape3A_79 : vector<1x128xf32> to vector<1024x128xf32>
    %add3A_82 = arith.addf %add3A_80, %add3A_81 : vector<1024x128xf32>
    %sub3A_83 = arith.subf %add3A_82, %dot_general3A_74 : vector<1024x128xf32>
    %max3A_84 = arith.constant 0.000000e+00 : f32
    %max3A_85 = vector.broadcast %max3A_84 : f32 to vector<1024x128xf32>
    %max3A_86 = arith.maximumf %sub3A_83, %max3A_85 : vector<1024x128xf32>
    %sqrt3A_87 = math.sqrt %max3A_86 : vector<1024x128xf32>
    %lt3A_88 = arith.cmpf olt, %sqrt3A_87, %select_n3A_66 : vector<1024x128xf32>
    %select_n3A_89 = arith.select %lt3A_88, %sqrt3A_87, %select_n3A_66 : vector<1024x128xi1>, vector<1024x128xf32>
    %jit3A_90 = arith.constant 3 : i32
    %broadcast_in_dim3A_91 = vector.broadcast %jit3A_90 : i32 to vector<1024x128xi32>
    %select_n3A_92 = arith.select %lt3A_88, %broadcast_in_dim3A_91, %select_n3A_69 : vector<1024x128xi1>, vector<1024x128xi32>
    %get3A_93 = arith.constant 0 : index
    %get3A_94 = arith.constant 512 : index
    %get3A_95 = vector.load %arg2[%get3A_93, %get3A_94] : memref<32x8192xbf16, #tpu.memory_space<vmem>>, vector<32x128xbf16>
    %dot_general3A_96 = arith.constant dense<0.000000e+00> : vector<1024x128xf32>
    %dot_general3A_97 = tpu.matmul %convert_element_type3A, %get3A_95, %dot_general3A_96 {dimension_numbers = #tpu.dot_dimension_numbers<[1], [0], [0], [1], [0, 0, 1, 1], [], []>, transpose_lhs_hint = false} : vector<1024x32xbf16>, vector<32x128xbf16>, vector<1024x128xf32> -> vector<1024x128xf32>
    %get3A_98 = arith.constant 0 : index
    %get3A_99 = arith.constant 512 : index
    %get3A_100 = vector.load %arg4[%get3A_98, %get3A_99] : memref<1x8192xf32, #tpu.memory_space<vmem>>, vector<1x128xf32>
    %get3A_101 = vector.shape_cast %get3A_100 : vector<1x128xf32> to vector<128xf32>
    %reshape3A_102 = vector.shape_cast %get3A_101 : vector<128xf32> to vector<1x128xf32>
    %add3A_103 = vector.broadcast %reshape3A : vector<1024x1xf32> to vector<1024x128xf32>
    %add3A_104 = vector.broadcast %reshape3A_102 : vector<1x128xf32> to vector<1024x128xf32>
    %add3A_105 = arith.addf %add3A_103, %add3A_104 : vector<1024x128xf32>
    %sub3A_106 = arith.subf %add3A_105, %dot_general3A_97 : vector<1024x128xf32>
    %max3A_107 = arith.constant 0.000000e+00 : f32
    %max3A_108 = vector.broadcast %max3A_107 : f32 to vector<1024x128xf32>
    %max3A_109 = arith.maximumf %sub3A_106, %max3A_108 : vector<1024x128xf32>
    %sqrt3A_110 = math.sqrt %max3A_109 : vector<1024x128xf32>
    %lt3A_111 = arith.cmpf olt, %sqrt3A_110, %select_n3A_89 : vector<1024x128xf32>
    %select_n3A_112 = arith.select %lt3A_111, %sqrt3A_110, %select_n3A_89 : vector<1024x128xi1>, vector<1024x128xf32>
    %jit3A_113 = arith.constant 4 : i32
    %broadcast_in_dim3A_114 = vector.broadcast %jit3A_113 : i32 to vector<1024x128xi32>
    %select_n3A_115 = arith.select %lt3A_111, %broadcast_in_dim3A_114, %select_n3A_92 : vector<1024x128xi1>, vector<1024x128xi32>
    %get3A_116 = arith.constant 0 : index
    %get3A_117 = arith.constant 640 : index
    %get3A_118 = vector.load %arg2[%get3A_116, %get3A_117] : memref<32x8192xbf16, #tpu.memory_space<vmem>>, vector<32x128xbf16>
    %dot_general3A_119 = arith.constant dense<0.000000e+00> : vector<1024x128xf32>
    %dot_general3A_120 = tpu.matmul %convert_element_type3A, %get3A_118, %dot_general3A_119 {dimension_numbers = #tpu.dot_dimension_numbers<[1], [0], [0], [1], [0, 0, 1, 1], [], []>, transpose_lhs_hint = false} : vector<1024x32xbf16>, vector<32x128xbf16>, vector<1024x128xf32> -> vector<1024x128xf32>
    %get3A_121 = arith.constant 0 : index
    %get3A_122 = arith.constant 640 : index
    %get3A_123 = vector.load %arg4[%get3A_121, %get3A_122] : memref<1x8192xf32, #tpu.memory_space<vmem>>, vector<1x128xf32>
    %get3A_124 = vector.shape_cast %get3A_123 : vector<1x128xf32> to vector<128xf32>
    %reshape3A_125 = vector.shape_cast %get3A_124 : vector<128xf32> to vector<1x128xf32>
    %add3A_126 = vector.broadcast %reshape3A : vector<1024x1xf32> to vector<1024x128xf32>
    %add3A_127 = vector.broadcast %reshape3A_125 : vector<1x128xf32> to vector<1024x128xf32>
    %add3A_128 = arith.addf %add3A_126, %add3A_127 : vector<1024x128xf32>
    %sub3A_129 = arith.subf %add3A_128, %dot_general3A_120 : vector<1024x128xf32>
    %max3A_130 = arith.constant 0.000000e+00 : f32
    %max3A_131 = vector.broadcast %max3A_130 : f32 to vector<1024x128xf32>
    %max3A_132 = arith.maximumf %sub3A_129, %max3A_131 : vector<1024x128xf32>
    %sqrt3A_133 = math.sqrt %max3A_132 : vector<1024x128xf32>
    %lt3A_134 = arith.cmpf olt, %sqrt3A_133, %select_n3A_112 : vector<1024x128xf32>
    %select_n3A_135 = arith.select %lt3A_134, %sqrt3A_133, %select_n3A_112 : vector<1024x128xi1>, vector<1024x128xf32>
    %jit3A_136 = arith.constant 5 : i32
    %broadcast_in_dim3A_137 = vector.broadcast %jit3A_136 : i32 to vector<1024x128xi32>
    %select_n3A_138 = arith.select %lt3A_134, %broadcast_in_dim3A_137, %select_n3A_115 : vector<1024x128xi1>, vector<1024x128xi32>
    %get3A_139 = arith.constant 0 : index
    %get3A_140 = arith.constant 768 : index
    %get3A_141 = vector.load %arg2[%get3A_139, %get3A_140] : memref<32x8192xbf16, #tpu.memory_space<vmem>>, vector<32x128xbf16>
    %dot_general3A_142 = arith.constant dense<0.000000e+00> : vector<1024x128xf32>
    %dot_general3A_143 = tpu.matmul %convert_element_type3A, %get3A_141, %dot_general3A_142 {dimension_numbers = #tpu.dot_dimension_numbers<[1], [0], [0], [1], [0, 0, 1, 1], [], []>, transpose_lhs_hint = false} : vector<1024x32xbf16>, vector<32x128xbf16>, vector<1024x128xf32> -> vector<1024x128xf32>
    %get3A_144 = arith.constant 0 : index
    %get3A_145 = arith.constant 768 : index
    %get3A_146 = vector.load %arg4[%get3A_144, %get3A_145] : memref<1x8192xf32, #tpu.memory_space<vmem>>, vector<1x128xf32>
    %get3A_147 = vector.shape_cast %get3A_146 : vector<1x128xf32> to vector<128xf32>
    %reshape3A_148 = vector.shape_cast %get3A_147 : vector<128xf32> to vector<1x128xf32>
    %add3A_149 = vector.broadcast %reshape3A : vector<1024x1xf32> to vector<1024x128xf32>
    %add3A_150 = vector.broadcast %reshape3A_148 : vector<1x128xf32> to vector<1024x128xf32>
    %add3A_151 = arith.addf %add3A_149, %add3A_150 : vector<1024x128xf32>
    %sub3A_152 = arith.subf %add3A_151, %dot_general3A_143 : vector<1024x128xf32>
    %max3A_153 = arith.constant 0.000000e+00 : f32
    %max3A_154 = vector.broadcast %max3A_153 : f32 to vector<1024x128xf32>
    %max3A_155 = arith.maximumf %sub3A_152, %max3A_154 : vector<1024x128xf32>
    %sqrt3A_156 = math.sqrt %max3A_155 : vector<1024x128xf32>
    %lt3A_157 = arith.cmpf olt, %sqrt3A_156, %select_n3A_135 : vector<1024x128xf32>
    %select_n3A_158 = arith.select %lt3A_157, %sqrt3A_156, %select_n3A_135 : vector<1024x128xi1>, vector<1024x128xf32>
    %jit3A_159 = arith.constant 6 : i32
    %broadcast_in_dim3A_160 = vector.broadcast %jit3A_159 : i32 to vector<1024x128xi32>
    %select_n3A_161 = arith.select %lt3A_157, %broadcast_in_dim3A_160, %select_n3A_138 : vector<1024x128xi1>, vector<1024x128xi32>
    %get3A_162 = arith.constant 0 : index
    %get3A_163 = arith.constant 896 : index
    %get3A_164 = vector.load %arg2[%get3A_162, %get3A_163] : memref<32x8192xbf16, #tpu.memory_space<vmem>>, vector<32x128xbf16>
    %dot_general3A_165 = arith.constant dense<0.000000e+00> : vector<1024x128xf32>
    %dot_general3A_166 = tpu.matmul %convert_element_type3A, %get3A_164, %dot_general3A_165 {dimension_numbers = #tpu.dot_dimension_numbers<[1], [0], [0], [1], [0, 0, 1, 1], [], []>, transpose_lhs_hint = false} : vector<1024x32xbf16>, vector<32x128xbf16>, vector<1024x128xf32> -> vector<1024x128xf32>
    %get3A_167 = arith.constant 0 : index
    %get3A_168 = arith.constant 896 : index
    %get3A_169 = vector.load %arg4[%get3A_167, %get3A_168] : memref<1x8192xf32, #tpu.memory_space<vmem>>, vector<1x128xf32>
    %get3A_170 = vector.shape_cast %get3A_169 : vector<1x128xf32> to vector<128xf32>
    %reshape3A_171 = vector.shape_cast %get3A_170 : vector<128xf32> to vector<1x128xf32>
    %add3A_172 = vector.broadcast %reshape3A : vector<1024x1xf32> to vector<1024x128xf32>
    %add3A_173 = vector.broadcast %reshape3A_171 : vector<1x128xf32> to vector<1024x128xf32>
    %add3A_174 = arith.addf %add3A_172, %add3A_173 : vector<1024x128xf32>
    %sub3A_175 = arith.subf %add3A_174, %dot_general3A_166 : vector<1024x128xf32>
    %max3A_176 = arith.constant 0.000000e+00 : f32
    %max3A_177 = vector.broadcast %max3A_176 : f32 to vector<1024x128xf32>
    %max3A_178 = arith.maximumf %sub3A_175, %max3A_177 : vector<1024x128xf32>
    %sqrt3A_179 = math.sqrt %max3A_178 : vector<1024x128xf32>
    %lt3A_180 = arith.cmpf olt, %sqrt3A_179, %select_n3A_158 : vector<1024x128xf32>
    %select_n3A_181 = arith.select %lt3A_180, %sqrt3A_179, %select_n3A_158 : vector<1024x128xi1>, vector<1024x128xf32>
    %jit3A_182 = arith.constant 7 : i32
    %broadcast_in_dim3A_183 = vector.broadcast %jit3A_182 : i32 to vector<1024x128xi32>
    %select_n3A_184 = arith.select %lt3A_180, %broadcast_in_dim3A_183, %select_n3A_161 : vector<1024x128xi1>, vector<1024x128xi32>
    %get3A_185 = arith.constant 0 : index
    %get3A_186 = arith.constant 1024 : index
    %get3A_187 = vector.load %arg2[%get3A_185, %get3A_186] : memref<32x8192xbf16, #tpu.memory_space<vmem>>, vector<32x128xbf16>
    %dot_general3A_188 = arith.constant dense<0.000000e+00> : vector<1024x128xf32>
    %dot_general3A_189 = tpu.matmul %convert_element_type3A, %get3A_187, %dot_general3A_188 {dimension_numbers = #tpu.dot_dimension_numbers<[1], [0], [0], [1], [0, 0, 1, 1], [], []>, transpose_lhs_hint = false} : vector<1024x32xbf16>, vector<32x128xbf16>, vector<1024x128xf32> -> vector<1024x128xf32>
    %get3A_190 = arith.constant 0 : index
    %get3A_191 = arith.constant 1024 : index
    %get3A_192 = vector.load %arg4[%get3A_190, %get3A_191] : memref<1x8192xf32, #tpu.memory_space<vmem>>, vector<1x128xf32>
    %get3A_193 = vector.shape_cast %get3A_192 : vector<1x128xf32> to vector<128xf32>
    %reshape3A_194 = vector.shape_cast %get3A_193 : vector<128xf32> to vector<1x128xf32>
    %add3A_195 = vector.broadcast %reshape3A : vector<1024x1xf32> to vector<1024x128xf32>
    %add3A_196 = vector.broadcast %reshape3A_194 : vector<1x128xf32> to vector<1024x128xf32>
    %add3A_197 = arith.addf %add3A_195, %add3A_196 : vector<1024x128xf32>
    %sub3A_198 = arith.subf %add3A_197, %dot_general3A_189 : vector<1024x128xf32>
    %max3A_199 = arith.constant 0.000000e+00 : f32
    %max3A_200 = vector.broadcast %max3A_199 : f32 to vector<1024x128xf32>
    %max3A_201 = arith.maximumf %sub3A_198, %max3A_200 : vector<1024x128xf32>
    %sqrt3A_202 = math.sqrt %max3A_201 : vector<1024x128xf32>
    %lt3A_203 = arith.cmpf olt, %sqrt3A_202, %select_n3A_181 : vector<1024x128xf32>
    %select_n3A_204 = arith.select %lt3A_203, %sqrt3A_202, %select_n3A_181 : vector<1024x128xi1>, vector<1024x128xf32>
    %jit3A_205 = arith.constant 8 : i32
    %broadcast_in_dim3A_206 = vector.broadcast %jit3A_205 : i32 to vector<1024x128xi32>
    %select_n3A_207 = arith.select %lt3A_203, %broadcast_in_dim3A_206, %select_n3A_184 : vector<1024x128xi1>, vector<1024x128xi32>
    %get3A_208 = arith.constant 0 : index
    %get3A_209 = arith.constant 1152 : index
    %get3A_210 = vector.load %arg2[%get3A_208, %get3A_209] : memref<32x8192xbf16, #tpu.memory_space<vmem>>, vector<32x128xbf16>
    %dot_general3A_211 = arith.constant dense<0.000000e+00> : vector<1024x128xf32>
    %dot_general3A_212 = tpu.matmul %convert_element_type3A, %get3A_210, %dot_general3A_211 {dimension_numbers = #tpu.dot_dimension_numbers<[1], [0], [0], [1], [0, 0, 1, 1], [], []>, transpose_lhs_hint = false} : vector<1024x32xbf16>, vector<32x128xbf16>, vector<1024x128xf32> -> vector<1024x128xf32>
    %get3A_213 = arith.constant 0 : index
    %get3A_214 = arith.constant 1152 : index
    %get3A_215 = vector.load %arg4[%get3A_213, %get3A_214] : memref<1x8192xf32, #tpu.memory_space<vmem>>, vector<1x128xf32>
    %get3A_216 = vector.shape_cast %get3A_215 : vector<1x128xf32> to vector<128xf32>
    %reshape3A_217 = vector.shape_cast %get3A_216 : vector<128xf32> to vector<1x128xf32>
    %add3A_218 = vector.broadcast %reshape3A : vector<1024x1xf32> to vector<1024x128xf32>
    %add3A_219 = vector.broadcast %reshape3A_217 : vector<1x128xf32> to vector<1024x128xf32>
    %add3A_220 = arith.addf %add3A_218, %add3A_219 : vector<1024x128xf32>
    %sub3A_221 = arith.subf %add3A_220, %dot_general3A_212 : vector<1024x128xf32>
    %max3A_222 = arith.constant 0.000000e+00 : f32
    %max3A_223 = vector.broadcast %max3A_222 : f32 to vector<1024x128xf32>
    %max3A_224 = arith.maximumf %sub3A_221, %max3A_223 : vector<1024x128xf32>
    %sqrt3A_225 = math.sqrt %max3A_224 : vector<1024x128xf32>
    %lt3A_226 = arith.cmpf olt, %sqrt3A_225, %select_n3A_204 : vector<1024x128xf32>
    %select_n3A_227 = arith.select %lt3A_226, %sqrt3A_225, %select_n3A_204 : vector<1024x128xi1>, vector<1024x128xf32>
    %jit3A_228 = arith.constant 9 : i32
    %broadcast_in_dim3A_229 = vector.broadcast %jit3A_228 : i32 to vector<1024x128xi32>
    %select_n3A_230 = arith.select %lt3A_226, %broadcast_in_dim3A_229, %select_n3A_207 : vector<1024x128xi1>, vector<1024x128xi32>
    %get3A_231 = arith.constant 0 : index
    %get3A_232 = arith.constant 1280 : index
    %get3A_233 = vector.load %arg2[%get3A_231, %get3A_232] : memref<32x8192xbf16, #tpu.memory_space<vmem>>, vector<32x128xbf16>
    %dot_general3A_234 = arith.constant dense<0.000000e+00> : vector<1024x128xf32>
    %dot_general3A_235 = tpu.matmul %convert_element_type3A, %get3A_233, %dot_general3A_234 {dimension_numbers = #tpu.dot_dimension_numbers<[1], [0], [0], [1], [0, 0, 1, 1], [], []>, transpose_lhs_hint = false} : vector<1024x32xbf16>, vector<32x128xbf16>, vector<1024x128xf32> -> vector<1024x128xf32>
    %get3A_236 = arith.constant 0 : index
    %get3A_237 = arith.constant 1280 : index
    %get3A_238 = vector.load %arg4[%get3A_236, %get3A_237] : memref<1x8192xf32, #tpu.memory_space<vmem>>, vector<1x128xf32>
    %get3A_239 = vector.shape_cast %get3A_238 : vector<1x128xf32> to vector<128xf32>
    %reshape3A_240 = vector.shape_cast %get3A_239 : vector<128xf32> to vector<1x128xf32>
    %add3A_241 = vector.broadcast %reshape3A : vector<1024x1xf32> to vector<1024x128xf32>
    %add3A_242 = vector.broadcast %reshape3A_240 : vector<1x128xf32> to vector<1024x128xf32>
    %add3A_243 = arith.addf %add3A_241, %add3A_242 : vector<1024x128xf32>
    %sub3A_244 = arith.subf %add3A_243, %dot_general3A_235 : vector<1024x128xf32>
    %max3A_245 = arith.constant 0.000000e+00 : f32
    %max3A_246 = vector.broadcast %max3A_245 : f32 to vector<1024x128xf32>
    %max3A_247 = arith.maximumf %sub3A_244, %max3A_246 : vector<1024x128xf32>
    %sqrt3A_248 = math.sqrt %max3A_247 : vector<1024x128xf32>
    %lt3A_249 = arith.cmpf olt, %sqrt3A_248, %select_n3A_227 : vector<1024x128xf32>
    %select_n3A_250 = arith.select %lt3A_249, %sqrt3A_248, %select_n3A_227 : vector<1024x128xi1>, vector<1024x128xf32>
    %jit3A_251 = arith.constant 10 : i32
    %broadcast_in_dim3A_252 = vector.broadcast %jit3A_251 : i32 to vector<1024x128xi32>
    %select_n3A_253 = arith.select %lt3A_249, %broadcast_in_dim3A_252, %select_n3A_230 : vector<1024x128xi1>, vector<1024x128xi32>
    %get3A_254 = arith.constant 0 : index
    %get3A_255 = arith.constant 1408 : index
    %get3A_256 = vector.load %arg2[%get3A_254, %get3A_255] : memref<32x8192xbf16, #tpu.memory_space<vmem>>, vector<32x128xbf16>
    %dot_general3A_257 = arith.constant dense<0.000000e+00> : vector<1024x128xf32>
    %dot_general3A_258 = tpu.matmul %convert_element_type3A, %get3A_256, %dot_general3A_257 {dimension_numbers = #tpu.dot_dimension_numbers<[1], [0], [0], [1], [0, 0, 1, 1], [], []>, transpose_lhs_hint = false} : vector<1024x32xbf16>, vector<32x128xbf16>, vector<1024x128xf32> -> vector<1024x128xf32>
    %get3A_259 = arith.constant 0 : index
    %get3A_260 = arith.constant 1408 : index
    %get3A_261 = vector.load %arg4[%get3A_259, %get3A_260] : memref<1x8192xf32, #tpu.memory_space<vmem>>, vector<1x128xf32>
    %get3A_262 = vector.shape_cast %get3A_261 : vector<1x128xf32> to vector<128xf32>
    %reshape3A_263 = vector.shape_cast %get3A_262 : vector<128xf32> to vector<1x128xf32>
    %add3A_264 = vector.broadcast %reshape3A : vector<1024x1xf32> to vector<1024x128xf32>
    %add3A_265 = vector.broadcast %reshape3A_263 : vector<1x128xf32> to vector<1024x128xf32>
    %add3A_266 = arith.addf %add3A_264, %add3A_265 : vector<1024x128xf32>
    %sub3A_267 = arith.subf %add3A_266, %dot_general3A_258 : vector<1024x128xf32>
    %max3A_268 = arith.constant 0.000000e+00 : f32
    %max3A_269 = vector.broadcast %max3A_268 : f32 to vector<1024x128xf32>
    %max3A_270 = arith.maximumf %sub3A_267, %max3A_269 : vector<1024x128xf32>
    %sqrt3A_271 = math.sqrt %max3A_270 : vector<1024x128xf32>
    %lt3A_272 = arith.cmpf olt, %sqrt3A_271, %select_n3A_250 : vector<1024x128xf32>
    %select_n3A_273 = arith.select %lt3A_272, %sqrt3A_271, %select_n3A_250 : vector<1024x128xi1>, vector<1024x128xf32>
    %jit3A_274 = arith.constant 11 : i32
    %broadcast_in_dim3A_275 = vector.broadcast %jit3A_274 : i32 to vector<1024x128xi32>
    %select_n3A_276 = arith.select %lt3A_272, %broadcast_in_dim3A_275, %select_n3A_253 : vector<1024x128xi1>, vector<1024x128xi32>
    %get3A_277 = arith.constant 0 : index
    %get3A_278 = arith.constant 1536 : index
    %get3A_279 = vector.load %arg2[%get3A_277, %get3A_278] : memref<32x8192xbf16, #tpu.memory_space<vmem>>, vector<32x128xbf16>
    %dot_general3A_280 = arith.constant dense<0.000000e+00> : vector<1024x128xf32>
    %dot_general3A_281 = tpu.matmul %convert_element_type3A, %get3A_279, %dot_general3A_280 {dimension_numbers = #tpu.dot_dimension_numbers<[1], [0], [0], [1], [0, 0, 1, 1], [], []>, transpose_lhs_hint = false} : vector<1024x32xbf16>, vector<32x128xbf16>, vector<1024x128xf32> -> vector<1024x128xf32>
    %get3A_282 = arith.constant 0 : index
    %get3A_283 = arith.constant 1536 : index
    %get3A_284 = vector.load %arg4[%get3A_282, %get3A_283] : memref<1x8192xf32, #tpu.memory_space<vmem>>, vector<1x128xf32>
    %get3A_285 = vector.shape_cast %get3A_284 : vector<1x128xf32> to vector<128xf32>
    %reshape3A_286 = vector.shape_cast %get3A_285 : vector<128xf32> to vector<1x128xf32>
    %add3A_287 = vector.broadcast %reshape3A : vector<1024x1xf32> to vector<1024x128xf32>
    %add3A_288 = vector.broadcast %reshape3A_286 : vector<1x128xf32> to vector<1024x128xf32>
    %add3A_289 = arith.addf %add3A_287, %add3A_288 : vector<1024x128xf32>
    %sub3A_290 = arith.subf %add3A_289, %dot_general3A_281 : vector<1024x128xf32>
    %max3A_291 = arith.constant 0.000000e+00 : f32
    %max3A_292 = vector.broadcast %max3A_291 : f32 to vector<1024x128xf32>
    %max3A_293 = arith.maximumf %sub3A_290, %max3A_292 : vector<1024x128xf32>
    %sqrt3A_294 = math.sqrt %max3A_293 : vector<1024x128xf32>
    %lt3A_295 = arith.cmpf olt, %sqrt3A_294, %select_n3A_273 : vector<1024x128xf32>
    %select_n3A_296 = arith.select %lt3A_295, %sqrt3A_294, %select_n3A_273 : vector<1024x128xi1>, vector<1024x128xf32>
    %jit3A_297 = arith.constant 12 : i32
    %broadcast_in_dim3A_298 = vector.broadcast %jit3A_297 : i32 to vector<1024x128xi32>
    %select_n3A_299 = arith.select %lt3A_295, %broadcast_in_dim3A_298, %select_n3A_276 : vector<1024x128xi1>, vector<1024x128xi32>
    %get3A_300 = arith.constant 0 : index
    %get3A_301 = arith.constant 1664 : index
    %get3A_302 = vector.load %arg2[%get3A_300, %get3A_301] : memref<32x8192xbf16, #tpu.memory_space<vmem>>, vector<32x128xbf16>
    %dot_general3A_303 = arith.constant dense<0.000000e+00> : vector<1024x128xf32>
    %dot_general3A_304 = tpu.matmul %convert_element_type3A, %get3A_302, %dot_general3A_303 {dimension_numbers = #tpu.dot_dimension_numbers<[1], [0], [0], [1], [0, 0, 1, 1], [], []>, transpose_lhs_hint = false} : vector<1024x32xbf16>, vector<32x128xbf16>, vector<1024x128xf32> -> vector<1024x128xf32>
    %get3A_305 = arith.constant 0 : index
    %get3A_306 = arith.constant 1664 : index
    %get3A_307 = vector.load %arg4[%get3A_305, %get3A_306] : memref<1x8192xf32, #tpu.memory_space<vmem>>, vector<1x128xf32>
    %get3A_308 = vector.shape_cast %get3A_307 : vector<1x128xf32> to vector<128xf32>
    %reshape3A_309 = vector.shape_cast %get3A_308 : vector<128xf32> to vector<1x128xf32>
    %add3A_310 = vector.broadcast %reshape3A : vector<1024x1xf32> to vector<1024x128xf32>
    %add3A_311 = vector.broadcast %reshape3A_309 : vector<1x128xf32> to vector<1024x128xf32>
    %add3A_312 = arith.addf %add3A_310, %add3A_311 : vector<1024x128xf32>
    %sub3A_313 = arith.subf %add3A_312, %dot_general3A_304 : vector<1024x128xf32>
    %max3A_314 = arith.constant 0.000000e+00 : f32
    %max3A_315 = vector.broadcast %max3A_314 : f32 to vector<1024x128xf32>
    %max3A_316 = arith.maximumf %sub3A_313, %max3A_315 : vector<1024x128xf32>
    %sqrt3A_317 = math.sqrt %max3A_316 : vector<1024x128xf32>
    %lt3A_318 = arith.cmpf olt, %sqrt3A_317, %select_n3A_296 : vector<1024x128xf32>
    %select_n3A_319 = arith.select %lt3A_318, %sqrt3A_317, %select_n3A_296 : vector<1024x128xi1>, vector<1024x128xf32>
    %jit3A_320 = arith.constant 13 : i32
    %broadcast_in_dim3A_321 = vector.broadcast %jit3A_320 : i32 to vector<1024x128xi32>
    %select_n3A_322 = arith.select %lt3A_318, %broadcast_in_dim3A_321, %select_n3A_299 : vector<1024x128xi1>, vector<1024x128xi32>
    %get3A_323 = arith.constant 0 : index
    %get3A_324 = arith.constant 1792 : index
    %get3A_325 = vector.load %arg2[%get3A_323, %get3A_324] : memref<32x8192xbf16, #tpu.memory_space<vmem>>, vector<32x128xbf16>
    %dot_general3A_326 = arith.constant dense<0.000000e+00> : vector<1024x128xf32>
    %dot_general3A_327 = tpu.matmul %convert_element_type3A, %get3A_325, %dot_general3A_326 {dimension_numbers = #tpu.dot_dimension_numbers<[1], [0], [0], [1], [0, 0, 1, 1], [], []>, transpose_lhs_hint = false} : vector<1024x32xbf16>, vector<32x128xbf16>, vector<1024x128xf32> -> vector<1024x128xf32>
    %get3A_328 = arith.constant 0 : index
    %get3A_329 = arith.constant 1792 : index
    %get3A_330 = vector.load %arg4[%get3A_328, %get3A_329] : memref<1x8192xf32, #tpu.memory_space<vmem>>, vector<1x128xf32>
    %get3A_331 = vector.shape_cast %get3A_330 : vector<1x128xf32> to vector<128xf32>
    %reshape3A_332 = vector.shape_cast %get3A_331 : vector<128xf32> to vector<1x128xf32>
    %add3A_333 = vector.broadcast %reshape3A : vector<1024x1xf32> to vector<1024x128xf32>
    %add3A_334 = vector.broadcast %reshape3A_332 : vector<1x128xf32> to vector<1024x128xf32>
    %add3A_335 = arith.addf %add3A_333, %add3A_334 : vector<1024x128xf32>
    %sub3A_336 = arith.subf %add3A_335, %dot_general3A_327 : vector<1024x128xf32>
    %max3A_337 = arith.constant 0.000000e+00 : f32
    %max3A_338 = vector.broadcast %max3A_337 : f32 to vector<1024x128xf32>
    %max3A_339 = arith.maximumf %sub3A_336, %max3A_338 : vector<1024x128xf32>
    %sqrt3A_340 = math.sqrt %max3A_339 : vector<1024x128xf32>
    %lt3A_341 = arith.cmpf olt, %sqrt3A_340, %select_n3A_319 : vector<1024x128xf32>
    %select_n3A_342 = arith.select %lt3A_341, %sqrt3A_340, %select_n3A_319 : vector<1024x128xi1>, vector<1024x128xf32>
    %jit3A_343 = arith.constant 14 : i32
    %broadcast_in_dim3A_344 = vector.broadcast %jit3A_343 : i32 to vector<1024x128xi32>
    %select_n3A_345 = arith.select %lt3A_341, %broadcast_in_dim3A_344, %select_n3A_322 : vector<1024x128xi1>, vector<1024x128xi32>
    %get3A_346 = arith.constant 0 : index
    %get3A_347 = arith.constant 1920 : index
    %get3A_348 = vector.load %arg2[%get3A_346, %get3A_347] : memref<32x8192xbf16, #tpu.memory_space<vmem>>, vector<32x128xbf16>
    %dot_general3A_349 = arith.constant dense<0.000000e+00> : vector<1024x128xf32>
    %dot_general3A_350 = tpu.matmul %convert_element_type3A, %get3A_348, %dot_general3A_349 {dimension_numbers = #tpu.dot_dimension_numbers<[1], [0], [0], [1], [0, 0, 1, 1], [], []>, transpose_lhs_hint = false} : vector<1024x32xbf16>, vector<32x128xbf16>, vector<1024x128xf32> -> vector<1024x128xf32>
    %get3A_351 = arith.constant 0 : index
    %get3A_352 = arith.constant 1920 : index
    %get3A_353 = vector.load %arg4[%get3A_351, %get3A_352] : memref<1x8192xf32, #tpu.memory_space<vmem>>, vector<1x128xf32>
    %get3A_354 = vector.shape_cast %get3A_353 : vector<1x128xf32> to vector<128xf32>
    %reshape3A_355 = vector.shape_cast %get3A_354 : vector<128xf32> to vector<1x128xf32>
    %add3A_356 = vector.broadcast %reshape3A : vector<1024x1xf32> to vector<1024x128xf32>
    %add3A_357 = vector.broadcast %reshape3A_355 : vector<1x128xf32> to vector<1024x128xf32>
    %add3A_358 = arith.addf %add3A_356, %add3A_357 : vector<1024x128xf32>
    %sub3A_359 = arith.subf %add3A_358, %dot_general3A_350 : vector<1024x128xf32>
    %max3A_360 = arith.constant 0.000000e+00 : f32
    %max3A_361 = vector.broadcast %max3A_360 : f32 to vector<1024x128xf32>
    %max3A_362 = arith.maximumf %sub3A_359, %max3A_361 : vector<1024x128xf32>
    %sqrt3A_363 = math.sqrt %max3A_362 : vector<1024x128xf32>
    %lt3A_364 = arith.cmpf olt, %sqrt3A_363, %select_n3A_342 : vector<1024x128xf32>
    %select_n3A_365 = arith.select %lt3A_364, %sqrt3A_363, %select_n3A_342 : vector<1024x128xi1>, vector<1024x128xf32>
    %jit3A_366 = arith.constant 15 : i32
    %broadcast_in_dim3A_367 = vector.broadcast %jit3A_366 : i32 to vector<1024x128xi32>
    %select_n3A_368 = arith.select %lt3A_364, %broadcast_in_dim3A_367, %select_n3A_345 : vector<1024x128xi1>, vector<1024x128xi32>
    %get3A_369 = arith.constant 0 : index
    %get3A_370 = arith.constant 2048 : index
    %get3A_371 = vector.load %arg2[%get3A_369, %get3A_370] : memref<32x8192xbf16, #tpu.memory_space<vmem>>, vector<32x128xbf16>
    %dot_general3A_372 = arith.constant dense<0.000000e+00> : vector<1024x128xf32>
    %dot_general3A_373 = tpu.matmul %convert_element_type3A, %get3A_371, %dot_general3A_372 {dimension_numbers = #tpu.dot_dimension_numbers<[1], [0], [0], [1], [0, 0, 1, 1], [], []>, transpose_lhs_hint = false} : vector<1024x32xbf16>, vector<32x128xbf16>, vector<1024x128xf32> -> vector<1024x128xf32>
    %get3A_374 = arith.constant 0 : index
    %get3A_375 = arith.constant 2048 : index
    %get3A_376 = vector.load %arg4[%get3A_374, %get3A_375] : memref<1x8192xf32, #tpu.memory_space<vmem>>, vector<1x128xf32>
    %get3A_377 = vector.shape_cast %get3A_376 : vector<1x128xf32> to vector<128xf32>
    %reshape3A_378 = vector.shape_cast %get3A_377 : vector<128xf32> to vector<1x128xf32>
    %add3A_379 = vector.broadcast %reshape3A : vector<1024x1xf32> to vector<1024x128xf32>
    %add3A_380 = vector.broadcast %reshape3A_378 : vector<1x128xf32> to vector<1024x128xf32>
    %add3A_381 = arith.addf %add3A_379, %add3A_380 : vector<1024x128xf32>
    %sub3A_382 = arith.subf %add3A_381, %dot_general3A_373 : vector<1024x128xf32>
    %max3A_383 = arith.constant 0.000000e+00 : f32
    %max3A_384 = vector.broadcast %max3A_383 : f32 to vector<1024x128xf32>
    %max3A_385 = arith.maximumf %sub3A_382, %max3A_384 : vector<1024x128xf32>
    %sqrt3A_386 = math.sqrt %max3A_385 : vector<1024x128xf32>
    %lt3A_387 = arith.cmpf olt, %sqrt3A_386, %select_n3A_365 : vector<1024x128xf32>
    %select_n3A_388 = arith.select %lt3A_387, %sqrt3A_386, %select_n3A_365 : vector<1024x128xi1>, vector<1024x128xf32>
    %jit3A_389 = arith.constant 16 : i32
    %broadcast_in_dim3A_390 = vector.broadcast %jit3A_389 : i32 to vector<1024x128xi32>
    %select_n3A_391 = arith.select %lt3A_387, %broadcast_in_dim3A_390, %select_n3A_368 : vector<1024x128xi1>, vector<1024x128xi32>
    %get3A_392 = arith.constant 0 : index
    %get3A_393 = arith.constant 2176 : index
    %get3A_394 = vector.load %arg2[%get3A_392, %get3A_393] : memref<32x8192xbf16, #tpu.memory_space<vmem>>, vector<32x128xbf16>
    %dot_general3A_395 = arith.constant dense<0.000000e+00> : vector<1024x128xf32>
    %dot_general3A_396 = tpu.matmul %convert_element_type3A, %get3A_394, %dot_general3A_395 {dimension_numbers = #tpu.dot_dimension_numbers<[1], [0], [0], [1], [0, 0, 1, 1], [], []>, transpose_lhs_hint = false} : vector<1024x32xbf16>, vector<32x128xbf16>, vector<1024x128xf32> -> vector<1024x128xf32>
    %get3A_397 = arith.constant 0 : index
    %get3A_398 = arith.constant 2176 : index
    %get3A_399 = vector.load %arg4[%get3A_397, %get3A_398] : memref<1x8192xf32, #tpu.memory_space<vmem>>, vector<1x128xf32>
    %get3A_400 = vector.shape_cast %get3A_399 : vector<1x128xf32> to vector<128xf32>
    %reshape3A_401 = vector.shape_cast %get3A_400 : vector<128xf32> to vector<1x128xf32>
    %add3A_402 = vector.broadcast %reshape3A : vector<1024x1xf32> to vector<1024x128xf32>
    %add3A_403 = vector.broadcast %reshape3A_401 : vector<1x128xf32> to vector<1024x128xf32>
    %add3A_404 = arith.addf %add3A_402, %add3A_403 : vector<1024x128xf32>
    %sub3A_405 = arith.subf %add3A_404, %dot_general3A_396 : vector<1024x128xf32>
    %max3A_406 = arith.constant 0.000000e+00 : f32
    %max3A_407 = vector.broadcast %max3A_406 : f32 to vector<1024x128xf32>
    %max3A_408 = arith.maximumf %sub3A_405, %max3A_407 : vector<1024x128xf32>
    %sqrt3A_409 = math.sqrt %max3A_408 : vector<1024x128xf32>
    %lt3A_410 = arith.cmpf olt, %sqrt3A_409, %select_n3A_388 : vector<1024x128xf32>
    %select_n3A_411 = arith.select %lt3A_410, %sqrt3A_409, %select_n3A_388 : vector<1024x128xi1>, vector<1024x128xf32>
    %jit3A_412 = arith.constant 17 : i32
    %broadcast_in_dim3A_413 = vector.broadcast %jit3A_412 : i32 to vector<1024x128xi32>
    %select_n3A_414 = arith.select %lt3A_410, %broadcast_in_dim3A_413, %select_n3A_391 : vector<1024x128xi1>, vector<1024x128xi32>
    %get3A_415 = arith.constant 0 : index
    %get3A_416 = arith.constant 2304 : index
    %get3A_417 = vector.load %arg2[%get3A_415, %get3A_416] : memref<32x8192xbf16, #tpu.memory_space<vmem>>, vector<32x128xbf16>
    %dot_general3A_418 = arith.constant dense<0.000000e+00> : vector<1024x128xf32>
    %dot_general3A_419 = tpu.matmul %convert_element_type3A, %get3A_417, %dot_general3A_418 {dimension_numbers = #tpu.dot_dimension_numbers<[1], [0], [0], [1], [0, 0, 1, 1], [], []>, transpose_lhs_hint = false} : vector<1024x32xbf16>, vector<32x128xbf16>, vector<1024x128xf32> -> vector<1024x128xf32>
    %get3A_420 = arith.constant 0 : index
    %get3A_421 = arith.constant 2304 : index
    %get3A_422 = vector.load %arg4[%get3A_420, %get3A_421] : memref<1x8192xf32, #tpu.memory_space<vmem>>, vector<1x128xf32>
    %get3A_423 = vector.shape_cast %get3A_422 : vector<1x128xf32> to vector<128xf32>
    %reshape3A_424 = vector.shape_cast %get3A_423 : vector<128xf32> to vector<1x128xf32>
    %add3A_425 = vector.broadcast %reshape3A : vector<1024x1xf32> to vector<1024x128xf32>
    %add3A_426 = vector.broadcast %reshape3A_424 : vector<1x128xf32> to vector<1024x128xf32>
    %add3A_427 = arith.addf %add3A_425, %add3A_426 : vector<1024x128xf32>
    %sub3A_428 = arith.subf %add3A_427, %dot_general3A_419 : vector<1024x128xf32>
    %max3A_429 = arith.constant 0.000000e+00 : f32
    %max3A_430 = vector.broadcast %max3A_429 : f32 to vector<1024x128xf32>
    %max3A_431 = arith.maximumf %sub3A_428, %max3A_430 : vector<1024x128xf32>
    %sqrt3A_432 = math.sqrt %max3A_431 : vector<1024x128xf32>
    %lt3A_433 = arith.cmpf olt, %sqrt3A_432, %select_n3A_411 : vector<1024x128xf32>
    %select_n3A_434 = arith.select %lt3A_433, %sqrt3A_432, %select_n3A_411 : vector<1024x128xi1>, vector<1024x128xf32>
    %jit3A_435 = arith.constant 18 : i32
    %broadcast_in_dim3A_436 = vector.broadcast %jit3A_435 : i32 to vector<1024x128xi32>
    %select_n3A_437 = arith.select %lt3A_433, %broadcast_in_dim3A_436, %select_n3A_414 : vector<1024x128xi1>, vector<1024x128xi32>
    %get3A_438 = arith.constant 0 : index
    %get3A_439 = arith.constant 2432 : index
    %get3A_440 = vector.load %arg2[%get3A_438, %get3A_439] : memref<32x8192xbf16, #tpu.memory_space<vmem>>, vector<32x128xbf16>
    %dot_general3A_441 = arith.constant dense<0.000000e+00> : vector<1024x128xf32>
    %dot_general3A_442 = tpu.matmul %convert_element_type3A, %get3A_440, %dot_general3A_441 {dimension_numbers = #tpu.dot_dimension_numbers<[1], [0], [0], [1], [0, 0, 1, 1], [], []>, transpose_lhs_hint = false} : vector<1024x32xbf16>, vector<32x128xbf16>, vector<1024x128xf32> -> vector<1024x128xf32>
    %get3A_443 = arith.constant 0 : index
    %get3A_444 = arith.constant 2432 : index
    %get3A_445 = vector.load %arg4[%get3A_443, %get3A_444] : memref<1x8192xf32, #tpu.memory_space<vmem>>, vector<1x128xf32>
    %get3A_446 = vector.shape_cast %get3A_445 : vector<1x128xf32> to vector<128xf32>
    %reshape3A_447 = vector.shape_cast %get3A_446 : vector<128xf32> to vector<1x128xf32>
    %add3A_448 = vector.broadcast %reshape3A : vector<1024x1xf32> to vector<1024x128xf32>
    %add3A_449 = vector.broadcast %reshape3A_447 : vector<1x128xf32> to vector<1024x128xf32>
    %add3A_450 = arith.addf %add3A_448, %add3A_449 : vector<1024x128xf32>
    %sub3A_451 = arith.subf %add3A_450, %dot_general3A_442 : vector<1024x128xf32>
    %max3A_452 = arith.constant 0.000000e+00 : f32
    %max3A_453 = vector.broadcast %max3A_452 : f32 to vector<1024x128xf32>
    %max3A_454 = arith.maximumf %sub3A_451, %max3A_453 : vector<1024x128xf32>
    %sqrt3A_455 = math.sqrt %max3A_454 : vector<1024x128xf32>
    %lt3A_456 = arith.cmpf olt, %sqrt3A_455, %select_n3A_434 : vector<1024x128xf32>
    %select_n3A_457 = arith.select %lt3A_456, %sqrt3A_455, %select_n3A_434 : vector<1024x128xi1>, vector<1024x128xf32>
    %jit3A_458 = arith.constant 19 : i32
    %broadcast_in_dim3A_459 = vector.broadcast %jit3A_458 : i32 to vector<1024x128xi32>
    %select_n3A_460 = arith.select %lt3A_456, %broadcast_in_dim3A_459, %select_n3A_437 : vector<1024x128xi1>, vector<1024x128xi32>
    %get3A_461 = arith.constant 0 : index
    %get3A_462 = arith.constant 2560 : index
    %get3A_463 = vector.load %arg2[%get3A_461, %get3A_462] : memref<32x8192xbf16, #tpu.memory_space<vmem>>, vector<32x128xbf16>
    %dot_general3A_464 = arith.constant dense<0.000000e+00> : vector<1024x128xf32>
    %dot_general3A_465 = tpu.matmul %convert_element_type3A, %get3A_463, %dot_general3A_464 {dimension_numbers = #tpu.dot_dimension_numbers<[1], [0], [0], [1], [0, 0, 1, 1], [], []>, transpose_lhs_hint = false} : vector<1024x32xbf16>, vector<32x128xbf16>, vector<1024x128xf32> -> vector<1024x128xf32>
    %get3A_466 = arith.constant 0 : index
    %get3A_467 = arith.constant 2560 : index
    %get3A_468 = vector.load %arg4[%get3A_466, %get3A_467] : memref<1x8192xf32, #tpu.memory_space<vmem>>, vector<1x128xf32>
    %get3A_469 = vector.shape_cast %get3A_468 : vector<1x128xf32> to vector<128xf32>
    %reshape3A_470 = vector.shape_cast %get3A_469 : vector<128xf32> to vector<1x128xf32>
    %add3A_471 = vector.broadcast %reshape3A : vector<1024x1xf32> to vector<1024x128xf32>
    %add3A_472 = vector.broadcast %reshape3A_470 : vector<1x128xf32> to vector<1024x128xf32>
    %add3A_473 = arith.addf %add3A_471, %add3A_472 : vector<1024x128xf32>
    %sub3A_474 = arith.subf %add3A_473, %dot_general3A_465 : vector<1024x128xf32>
    %max3A_475 = arith.constant 0.000000e+00 : f32
    %max3A_476 = vector.broadcast %max3A_475 : f32 to vector<1024x128xf32>
    %max3A_477 = arith.maximumf %sub3A_474, %max3A_476 : vector<1024x128xf32>
    %sqrt3A_478 = math.sqrt %max3A_477 : vector<1024x128xf32>
    %lt3A_479 = arith.cmpf olt, %sqrt3A_478, %select_n3A_457 : vector<1024x128xf32>
    %select_n3A_480 = arith.select %lt3A_479, %sqrt3A_478, %select_n3A_457 : vector<1024x128xi1>, vector<1024x128xf32>
    %jit3A_481 = arith.constant 20 : i32
    %broadcast_in_dim3A_482 = vector.broadcast %jit3A_481 : i32 to vector<1024x128xi32>
    %select_n3A_483 = arith.select %lt3A_479, %broadcast_in_dim3A_482, %select_n3A_460 : vector<1024x128xi1>, vector<1024x128xi32>
    %get3A_484 = arith.constant 0 : index
    %get3A_485 = arith.constant 2688 : index
    %get3A_486 = vector.load %arg2[%get3A_484, %get3A_485] : memref<32x8192xbf16, #tpu.memory_space<vmem>>, vector<32x128xbf16>
    %dot_general3A_487 = arith.constant dense<0.000000e+00> : vector<1024x128xf32>
    %dot_general3A_488 = tpu.matmul %convert_element_type3A, %get3A_486, %dot_general3A_487 {dimension_numbers = #tpu.dot_dimension_numbers<[1], [0], [0], [1], [0, 0, 1, 1], [], []>, transpose_lhs_hint = false} : vector<1024x32xbf16>, vector<32x128xbf16>, vector<1024x128xf32> -> vector<1024x128xf32>
    %get3A_489 = arith.constant 0 : index
    %get3A_490 = arith.constant 2688 : index
    %get3A_491 = vector.load %arg4[%get3A_489, %get3A_490] : memref<1x8192xf32, #tpu.memory_space<vmem>>, vector<1x128xf32>
    %get3A_492 = vector.shape_cast %get3A_491 : vector<1x128xf32> to vector<128xf32>
    %reshape3A_493 = vector.shape_cast %get3A_492 : vector<128xf32> to vector<1x128xf32>
    %add3A_494 = vector.broadcast %reshape3A : vector<1024x1xf32> to vector<1024x128xf32>
    %add3A_495 = vector.broadcast %reshape3A_493 : vector<1x128xf32> to vector<1024x128xf32>
    %add3A_496 = arith.addf %add3A_494, %add3A_495 : vector<1024x128xf32>
    %sub3A_497 = arith.subf %add3A_496, %dot_general3A_488 : vector<1024x128xf32>
    %max3A_498 = arith.constant 0.000000e+00 : f32
    %max3A_499 = vector.broadcast %max3A_498 : f32 to vector<1024x128xf32>
    %max3A_500 = arith.maximumf %sub3A_497, %max3A_499 : vector<1024x128xf32>
    %sqrt3A_501 = math.sqrt %max3A_500 : vector<1024x128xf32>
    %lt3A_502 = arith.cmpf olt, %sqrt3A_501, %select_n3A_480 : vector<1024x128xf32>
    %select_n3A_503 = arith.select %lt3A_502, %sqrt3A_501, %select_n3A_480 : vector<1024x128xi1>, vector<1024x128xf32>
    %jit3A_504 = arith.constant 21 : i32
    %broadcast_in_dim3A_505 = vector.broadcast %jit3A_504 : i32 to vector<1024x128xi32>
    %select_n3A_506 = arith.select %lt3A_502, %broadcast_in_dim3A_505, %select_n3A_483 : vector<1024x128xi1>, vector<1024x128xi32>
    %get3A_507 = arith.constant 0 : index
    %get3A_508 = arith.constant 2816 : index
    %get3A_509 = vector.load %arg2[%get3A_507, %get3A_508] : memref<32x8192xbf16, #tpu.memory_space<vmem>>, vector<32x128xbf16>
    %dot_general3A_510 = arith.constant dense<0.000000e+00> : vector<1024x128xf32>
    %dot_general3A_511 = tpu.matmul %convert_element_type3A, %get3A_509, %dot_general3A_510 {dimension_numbers = #tpu.dot_dimension_numbers<[1], [0], [0], [1], [0, 0, 1, 1], [], []>, transpose_lhs_hint = false} : vector<1024x32xbf16>, vector<32x128xbf16>, vector<1024x128xf32> -> vector<1024x128xf32>
    %get3A_512 = arith.constant 0 : index
    %get3A_513 = arith.constant 2816 : index
    %get3A_514 = vector.load %arg4[%get3A_512, %get3A_513] : memref<1x8192xf32, #tpu.memory_space<vmem>>, vector<1x128xf32>
    %get3A_515 = vector.shape_cast %get3A_514 : vector<1x128xf32> to vector<128xf32>
    %reshape3A_516 = vector.shape_cast %get3A_515 : vector<128xf32> to vector<1x128xf32>
    %add3A_517 = vector.broadcast %reshape3A : vector<1024x1xf32> to vector<1024x128xf32>
    %add3A_518 = vector.broadcast %reshape3A_516 : vector<1x128xf32> to vector<1024x128xf32>
    %add3A_519 = arith.addf %add3A_517, %add3A_518 : vector<1024x128xf32>
    %sub3A_520 = arith.subf %add3A_519, %dot_general3A_511 : vector<1024x128xf32>
    %max3A_521 = arith.constant 0.000000e+00 : f32
    %max3A_522 = vector.broadcast %max3A_521 : f32 to vector<1024x128xf32>
    %max3A_523 = arith.maximumf %sub3A_520, %max3A_522 : vector<1024x128xf32>
    %sqrt3A_524 = math.sqrt %max3A_523 : vector<1024x128xf32>
    %lt3A_525 = arith.cmpf olt, %sqrt3A_524, %select_n3A_503 : vector<1024x128xf32>
    %select_n3A_526 = arith.select %lt3A_525, %sqrt3A_524, %select_n3A_503 : vector<1024x128xi1>, vector<1024x128xf32>
    %jit3A_527 = arith.constant 22 : i32
    %broadcast_in_dim3A_528 = vector.broadcast %jit3A_527 : i32 to vector<1024x128xi32>
    %select_n3A_529 = arith.select %lt3A_525, %broadcast_in_dim3A_528, %select_n3A_506 : vector<1024x128xi1>, vector<1024x128xi32>
    %get3A_530 = arith.constant 0 : index
    %get3A_531 = arith.constant 2944 : index
    %get3A_532 = vector.load %arg2[%get3A_530, %get3A_531] : memref<32x8192xbf16, #tpu.memory_space<vmem>>, vector<32x128xbf16>
    %dot_general3A_533 = arith.constant dense<0.000000e+00> : vector<1024x128xf32>
    %dot_general3A_534 = tpu.matmul %convert_element_type3A, %get3A_532, %dot_general3A_533 {dimension_numbers = #tpu.dot_dimension_numbers<[1], [0], [0], [1], [0, 0, 1, 1], [], []>, transpose_lhs_hint = false} : vector<1024x32xbf16>, vector<32x128xbf16>, vector<1024x128xf32> -> vector<1024x128xf32>
    %get3A_535 = arith.constant 0 : index
    %get3A_536 = arith.constant 2944 : index
    %get3A_537 = vector.load %arg4[%get3A_535, %get3A_536] : memref<1x8192xf32, #tpu.memory_space<vmem>>, vector<1x128xf32>
    %get3A_538 = vector.shape_cast %get3A_537 : vector<1x128xf32> to vector<128xf32>
    %reshape3A_539 = vector.shape_cast %get3A_538 : vector<128xf32> to vector<1x128xf32>
    %add3A_540 = vector.broadcast %reshape3A : vector<1024x1xf32> to vector<1024x128xf32>
    %add3A_541 = vector.broadcast %reshape3A_539 : vector<1x128xf32> to vector<1024x128xf32>
    %add3A_542 = arith.addf %add3A_540, %add3A_541 : vector<1024x128xf32>
    %sub3A_543 = arith.subf %add3A_542, %dot_general3A_534 : vector<1024x128xf32>
    %max3A_544 = arith.constant 0.000000e+00 : f32
    %max3A_545 = vector.broadcast %max3A_544 : f32 to vector<1024x128xf32>
    %max3A_546 = arith.maximumf %sub3A_543, %max3A_545 : vector<1024x128xf32>
    %sqrt3A_547 = math.sqrt %max3A_546 : vector<1024x128xf32>
    %lt3A_548 = arith.cmpf olt, %sqrt3A_547, %select_n3A_526 : vector<1024x128xf32>
    %select_n3A_549 = arith.select %lt3A_548, %sqrt3A_547, %select_n3A_526 : vector<1024x128xi1>, vector<1024x128xf32>
    %jit3A_550 = arith.constant 23 : i32
    %broadcast_in_dim3A_551 = vector.broadcast %jit3A_550 : i32 to vector<1024x128xi32>
    %select_n3A_552 = arith.select %lt3A_548, %broadcast_in_dim3A_551, %select_n3A_529 : vector<1024x128xi1>, vector<1024x128xi32>
    %get3A_553 = arith.constant 0 : index
    %get3A_554 = arith.constant 3072 : index
    %get3A_555 = vector.load %arg2[%get3A_553, %get3A_554] : memref<32x8192xbf16, #tpu.memory_space<vmem>>, vector<32x128xbf16>
    %dot_general3A_556 = arith.constant dense<0.000000e+00> : vector<1024x128xf32>
    %dot_general3A_557 = tpu.matmul %convert_element_type3A, %get3A_555, %dot_general3A_556 {dimension_numbers = #tpu.dot_dimension_numbers<[1], [0], [0], [1], [0, 0, 1, 1], [], []>, transpose_lhs_hint = false} : vector<1024x32xbf16>, vector<32x128xbf16>, vector<1024x128xf32> -> vector<1024x128xf32>
    %get3A_558 = arith.constant 0 : index
    %get3A_559 = arith.constant 3072 : index
    %get3A_560 = vector.load %arg4[%get3A_558, %get3A_559] : memref<1x8192xf32, #tpu.memory_space<vmem>>, vector<1x128xf32>
    %get3A_561 = vector.shape_cast %get3A_560 : vector<1x128xf32> to vector<128xf32>
    %reshape3A_562 = vector.shape_cast %get3A_561 : vector<128xf32> to vector<1x128xf32>
    %add3A_563 = vector.broadcast %reshape3A : vector<1024x1xf32> to vector<1024x128xf32>
    %add3A_564 = vector.broadcast %reshape3A_562 : vector<1x128xf32> to vector<1024x128xf32>
    %add3A_565 = arith.addf %add3A_563, %add3A_564 : vector<1024x128xf32>
    %sub3A_566 = arith.subf %add3A_565, %dot_general3A_557 : vector<1024x128xf32>
    %max3A_567 = arith.constant 0.000000e+00 : f32
    %max3A_568 = vector.broadcast %max3A_567 : f32 to vector<1024x128xf32>
    %max3A_569 = arith.maximumf %sub3A_566, %max3A_568 : vector<1024x128xf32>
    %sqrt3A_570 = math.sqrt %max3A_569 : vector<1024x128xf32>
    %lt3A_571 = arith.cmpf olt, %sqrt3A_570, %select_n3A_549 : vector<1024x128xf32>
    %select_n3A_572 = arith.select %lt3A_571, %sqrt3A_570, %select_n3A_549 : vector<1024x128xi1>, vector<1024x128xf32>
    %jit3A_573 = arith.constant 24 : i32
    %broadcast_in_dim3A_574 = vector.broadcast %jit3A_573 : i32 to vector<1024x128xi32>
    %select_n3A_575 = arith.select %lt3A_571, %broadcast_in_dim3A_574, %select_n3A_552 : vector<1024x128xi1>, vector<1024x128xi32>
    %get3A_576 = arith.constant 0 : index
    %get3A_577 = arith.constant 3200 : index
    %get3A_578 = vector.load %arg2[%get3A_576, %get3A_577] : memref<32x8192xbf16, #tpu.memory_space<vmem>>, vector<32x128xbf16>
    %dot_general3A_579 = arith.constant dense<0.000000e+00> : vector<1024x128xf32>
    %dot_general3A_580 = tpu.matmul %convert_element_type3A, %get3A_578, %dot_general3A_579 {dimension_numbers = #tpu.dot_dimension_numbers<[1], [0], [0], [1], [0, 0, 1, 1], [], []>, transpose_lhs_hint = false} : vector<1024x32xbf16>, vector<32x128xbf16>, vector<1024x128xf32> -> vector<1024x128xf32>
    %get3A_581 = arith.constant 0 : index
    %get3A_582 = arith.constant 3200 : index
    %get3A_583 = vector.load %arg4[%get3A_581, %get3A_582] : memref<1x8192xf32, #tpu.memory_space<vmem>>, vector<1x128xf32>
    %get3A_584 = vector.shape_cast %get3A_583 : vector<1x128xf32> to vector<128xf32>
    %reshape3A_585 = vector.shape_cast %get3A_584 : vector<128xf32> to vector<1x128xf32>
    %add3A_586 = vector.broadcast %reshape3A : vector<1024x1xf32> to vector<1024x128xf32>
    %add3A_587 = vector.broadcast %reshape3A_585 : vector<1x128xf32> to vector<1024x128xf32>
    %add3A_588 = arith.addf %add3A_586, %add3A_587 : vector<1024x128xf32>
    %sub3A_589 = arith.subf %add3A_588, %dot_general3A_580 : vector<1024x128xf32>
    %max3A_590 = arith.constant 0.000000e+00 : f32
    %max3A_591 = vector.broadcast %max3A_590 : f32 to vector<1024x128xf32>
    %max3A_592 = arith.maximumf %sub3A_589, %max3A_591 : vector<1024x128xf32>
    %sqrt3A_593 = math.sqrt %max3A_592 : vector<1024x128xf32>
    %lt3A_594 = arith.cmpf olt, %sqrt3A_593, %select_n3A_572 : vector<1024x128xf32>
    %select_n3A_595 = arith.select %lt3A_594, %sqrt3A_593, %select_n3A_572 : vector<1024x128xi1>, vector<1024x128xf32>
    %jit3A_596 = arith.constant 25 : i32
    %broadcast_in_dim3A_597 = vector.broadcast %jit3A_596 : i32 to vector<1024x128xi32>
    %select_n3A_598 = arith.select %lt3A_594, %broadcast_in_dim3A_597, %select_n3A_575 : vector<1024x128xi1>, vector<1024x128xi32>
    %get3A_599 = arith.constant 0 : index
    %get3A_600 = arith.constant 3328 : index
    %get3A_601 = vector.load %arg2[%get3A_599, %get3A_600] : memref<32x8192xbf16, #tpu.memory_space<vmem>>, vector<32x128xbf16>
    %dot_general3A_602 = arith.constant dense<0.000000e+00> : vector<1024x128xf32>
    %dot_general3A_603 = tpu.matmul %convert_element_type3A, %get3A_601, %dot_general3A_602 {dimension_numbers = #tpu.dot_dimension_numbers<[1], [0], [0], [1], [0, 0, 1, 1], [], []>, transpose_lhs_hint = false} : vector<1024x32xbf16>, vector<32x128xbf16>, vector<1024x128xf32> -> vector<1024x128xf32>
    %get3A_604 = arith.constant 0 : index
    %get3A_605 = arith.constant 3328 : index
    %get3A_606 = vector.load %arg4[%get3A_604, %get3A_605] : memref<1x8192xf32, #tpu.memory_space<vmem>>, vector<1x128xf32>
    %get3A_607 = vector.shape_cast %get3A_606 : vector<1x128xf32> to vector<128xf32>
    %reshape3A_608 = vector.shape_cast %get3A_607 : vector<128xf32> to vector<1x128xf32>
    %add3A_609 = vector.broadcast %reshape3A : vector<1024x1xf32> to vector<1024x128xf32>
    %add3A_610 = vector.broadcast %reshape3A_608 : vector<1x128xf32> to vector<1024x128xf32>
    %add3A_611 = arith.addf %add3A_609, %add3A_610 : vector<1024x128xf32>
    %sub3A_612 = arith.subf %add3A_611, %dot_general3A_603 : vector<1024x128xf32>
    %max3A_613 = arith.constant 0.000000e+00 : f32
    %max3A_614 = vector.broadcast %max3A_613 : f32 to vector<1024x128xf32>
    %max3A_615 = arith.maximumf %sub3A_612, %max3A_614 : vector<1024x128xf32>
    %sqrt3A_616 = math.sqrt %max3A_615 : vector<1024x128xf32>
    %lt3A_617 = arith.cmpf olt, %sqrt3A_616, %select_n3A_595 : vector<1024x128xf32>
    %select_n3A_618 = arith.select %lt3A_617, %sqrt3A_616, %select_n3A_595 : vector<1024x128xi1>, vector<1024x128xf32>
    %jit3A_619 = arith.constant 26 : i32
    %broadcast_in_dim3A_620 = vector.broadcast %jit3A_619 : i32 to vector<1024x128xi32>
    %select_n3A_621 = arith.select %lt3A_617, %broadcast_in_dim3A_620, %select_n3A_598 : vector<1024x128xi1>, vector<1024x128xi32>
    %get3A_622 = arith.constant 0 : index
    %get3A_623 = arith.constant 3456 : index
    %get3A_624 = vector.load %arg2[%get3A_622, %get3A_623] : memref<32x8192xbf16, #tpu.memory_space<vmem>>, vector<32x128xbf16>
    %dot_general3A_625 = arith.constant dense<0.000000e+00> : vector<1024x128xf32>
    %dot_general3A_626 = tpu.matmul %convert_element_type3A, %get3A_624, %dot_general3A_625 {dimension_numbers = #tpu.dot_dimension_numbers<[1], [0], [0], [1], [0, 0, 1, 1], [], []>, transpose_lhs_hint = false} : vector<1024x32xbf16>, vector<32x128xbf16>, vector<1024x128xf32> -> vector<1024x128xf32>
    %get3A_627 = arith.constant 0 : index
    %get3A_628 = arith.constant 3456 : index
    %get3A_629 = vector.load %arg4[%get3A_627, %get3A_628] : memref<1x8192xf32, #tpu.memory_space<vmem>>, vector<1x128xf32>
    %get3A_630 = vector.shape_cast %get3A_629 : vector<1x128xf32> to vector<128xf32>
    %reshape3A_631 = vector.shape_cast %get3A_630 : vector<128xf32> to vector<1x128xf32>
    %add3A_632 = vector.broadcast %reshape3A : vector<1024x1xf32> to vector<1024x128xf32>
    %add3A_633 = vector.broadcast %reshape3A_631 : vector<1x128xf32> to vector<1024x128xf32>
    %add3A_634 = arith.addf %add3A_632, %add3A_633 : vector<1024x128xf32>
    %sub3A_635 = arith.subf %add3A_634, %dot_general3A_626 : vector<1024x128xf32>
    %max3A_636 = arith.constant 0.000000e+00 : f32
    %max3A_637 = vector.broadcast %max3A_636 : f32 to vector<1024x128xf32>
    %max3A_638 = arith.maximumf %sub3A_635, %max3A_637 : vector<1024x128xf32>
    %sqrt3A_639 = math.sqrt %max3A_638 : vector<1024x128xf32>
    %lt3A_640 = arith.cmpf olt, %sqrt3A_639, %select_n3A_618 : vector<1024x128xf32>
    %select_n3A_641 = arith.select %lt3A_640, %sqrt3A_639, %select_n3A_618 : vector<1024x128xi1>, vector<1024x128xf32>
    %jit3A_642 = arith.constant 27 : i32
    %broadcast_in_dim3A_643 = vector.broadcast %jit3A_642 : i32 to vector<1024x128xi32>
    %select_n3A_644 = arith.select %lt3A_640, %broadcast_in_dim3A_643, %select_n3A_621 : vector<1024x128xi1>, vector<1024x128xi32>
    %get3A_645 = arith.constant 0 : index
    %get3A_646 = arith.constant 3584 : index
    %get3A_647 = vector.load %arg2[%get3A_645, %get3A_646] : memref<32x8192xbf16, #tpu.memory_space<vmem>>, vector<32x128xbf16>
    %dot_general3A_648 = arith.constant dense<0.000000e+00> : vector<1024x128xf32>
    %dot_general3A_649 = tpu.matmul %convert_element_type3A, %get3A_647, %dot_general3A_648 {dimension_numbers = #tpu.dot_dimension_numbers<[1], [0], [0], [1], [0, 0, 1, 1], [], []>, transpose_lhs_hint = false} : vector<1024x32xbf16>, vector<32x128xbf16>, vector<1024x128xf32> -> vector<1024x128xf32>
    %get3A_650 = arith.constant 0 : index
    %get3A_651 = arith.constant 3584 : index
    %get3A_652 = vector.load %arg4[%get3A_650, %get3A_651] : memref<1x8192xf32, #tpu.memory_space<vmem>>, vector<1x128xf32>
    %get3A_653 = vector.shape_cast %get3A_652 : vector<1x128xf32> to vector<128xf32>
    %reshape3A_654 = vector.shape_cast %get3A_653 : vector<128xf32> to vector<1x128xf32>
    %add3A_655 = vector.broadcast %reshape3A : vector<1024x1xf32> to vector<1024x128xf32>
    %add3A_656 = vector.broadcast %reshape3A_654 : vector<1x128xf32> to vector<1024x128xf32>
    %add3A_657 = arith.addf %add3A_655, %add3A_656 : vector<1024x128xf32>
    %sub3A_658 = arith.subf %add3A_657, %dot_general3A_649 : vector<1024x128xf32>
    %max3A_659 = arith.constant 0.000000e+00 : f32
    %max3A_660 = vector.broadcast %max3A_659 : f32 to vector<1024x128xf32>
    %max3A_661 = arith.maximumf %sub3A_658, %max3A_660 : vector<1024x128xf32>
    %sqrt3A_662 = math.sqrt %max3A_661 : vector<1024x128xf32>
    %lt3A_663 = arith.cmpf olt, %sqrt3A_662, %select_n3A_641 : vector<1024x128xf32>
    %select_n3A_664 = arith.select %lt3A_663, %sqrt3A_662, %select_n3A_641 : vector<1024x128xi1>, vector<1024x128xf32>
    %jit3A_665 = arith.constant 28 : i32
    %broadcast_in_dim3A_666 = vector.broadcast %jit3A_665 : i32 to vector<1024x128xi32>
    %select_n3A_667 = arith.select %lt3A_663, %broadcast_in_dim3A_666, %select_n3A_644 : vector<1024x128xi1>, vector<1024x128xi32>
    %get3A_668 = arith.constant 0 : index
    %get3A_669 = arith.constant 3712 : index
    %get3A_670 = vector.load %arg2[%get3A_668, %get3A_669] : memref<32x8192xbf16, #tpu.memory_space<vmem>>, vector<32x128xbf16>
    %dot_general3A_671 = arith.constant dense<0.000000e+00> : vector<1024x128xf32>
    %dot_general3A_672 = tpu.matmul %convert_element_type3A, %get3A_670, %dot_general3A_671 {dimension_numbers = #tpu.dot_dimension_numbers<[1], [0], [0], [1], [0, 0, 1, 1], [], []>, transpose_lhs_hint = false} : vector<1024x32xbf16>, vector<32x128xbf16>, vector<1024x128xf32> -> vector<1024x128xf32>
    %get3A_673 = arith.constant 0 : index
    %get3A_674 = arith.constant 3712 : index
    %get3A_675 = vector.load %arg4[%get3A_673, %get3A_674] : memref<1x8192xf32, #tpu.memory_space<vmem>>, vector<1x128xf32>
    %get3A_676 = vector.shape_cast %get3A_675 : vector<1x128xf32> to vector<128xf32>
    %reshape3A_677 = vector.shape_cast %get3A_676 : vector<128xf32> to vector<1x128xf32>
    %add3A_678 = vector.broadcast %reshape3A : vector<1024x1xf32> to vector<1024x128xf32>
    %add3A_679 = vector.broadcast %reshape3A_677 : vector<1x128xf32> to vector<1024x128xf32>
    %add3A_680 = arith.addf %add3A_678, %add3A_679 : vector<1024x128xf32>
    %sub3A_681 = arith.subf %add3A_680, %dot_general3A_672 : vector<1024x128xf32>
    %max3A_682 = arith.constant 0.000000e+00 : f32
    %max3A_683 = vector.broadcast %max3A_682 : f32 to vector<1024x128xf32>
    %max3A_684 = arith.maximumf %sub3A_681, %max3A_683 : vector<1024x128xf32>
    %sqrt3A_685 = math.sqrt %max3A_684 : vector<1024x128xf32>
    %lt3A_686 = arith.cmpf olt, %sqrt3A_685, %select_n3A_664 : vector<1024x128xf32>
    %select_n3A_687 = arith.select %lt3A_686, %sqrt3A_685, %select_n3A_664 : vector<1024x128xi1>, vector<1024x128xf32>
    %jit3A_688 = arith.constant 29 : i32
    %broadcast_in_dim3A_689 = vector.broadcast %jit3A_688 : i32 to vector<1024x128xi32>
    %select_n3A_690 = arith.select %lt3A_686, %broadcast_in_dim3A_689, %select_n3A_667 : vector<1024x128xi1>, vector<1024x128xi32>
    %get3A_691 = arith.constant 0 : index
    %get3A_692 = arith.constant 3840 : index
    %get3A_693 = vector.load %arg2[%get3A_691, %get3A_692] : memref<32x8192xbf16, #tpu.memory_space<vmem>>, vector<32x128xbf16>
    %dot_general3A_694 = arith.constant dense<0.000000e+00> : vector<1024x128xf32>
    %dot_general3A_695 = tpu.matmul %convert_element_type3A, %get3A_693, %dot_general3A_694 {dimension_numbers = #tpu.dot_dimension_numbers<[1], [0], [0], [1], [0, 0, 1, 1], [], []>, transpose_lhs_hint = false} : vector<1024x32xbf16>, vector<32x128xbf16>, vector<1024x128xf32> -> vector<1024x128xf32>
    %get3A_696 = arith.constant 0 : index
    %get3A_697 = arith.constant 3840 : index
    %get3A_698 = vector.load %arg4[%get3A_696, %get3A_697] : memref<1x8192xf32, #tpu.memory_space<vmem>>, vector<1x128xf32>
    %get3A_699 = vector.shape_cast %get3A_698 : vector<1x128xf32> to vector<128xf32>
    %reshape3A_700 = vector.shape_cast %get3A_699 : vector<128xf32> to vector<1x128xf32>
    %add3A_701 = vector.broadcast %reshape3A : vector<1024x1xf32> to vector<1024x128xf32>
    %add3A_702 = vector.broadcast %reshape3A_700 : vector<1x128xf32> to vector<1024x128xf32>
    %add3A_703 = arith.addf %add3A_701, %add3A_702 : vector<1024x128xf32>
    %sub3A_704 = arith.subf %add3A_703, %dot_general3A_695 : vector<1024x128xf32>
    %max3A_705 = arith.constant 0.000000e+00 : f32
    %max3A_706 = vector.broadcast %max3A_705 : f32 to vector<1024x128xf32>
    %max3A_707 = arith.maximumf %sub3A_704, %max3A_706 : vector<1024x128xf32>
    %sqrt3A_708 = math.sqrt %max3A_707 : vector<1024x128xf32>
    %lt3A_709 = arith.cmpf olt, %sqrt3A_708, %select_n3A_687 : vector<1024x128xf32>
    %select_n3A_710 = arith.select %lt3A_709, %sqrt3A_708, %select_n3A_687 : vector<1024x128xi1>, vector<1024x128xf32>
    %jit3A_711 = arith.constant 30 : i32
    %broadcast_in_dim3A_712 = vector.broadcast %jit3A_711 : i32 to vector<1024x128xi32>
    %select_n3A_713 = arith.select %lt3A_709, %broadcast_in_dim3A_712, %select_n3A_690 : vector<1024x128xi1>, vector<1024x128xi32>
    %get3A_714 = arith.constant 0 : index
    %get3A_715 = arith.constant 3968 : index
    %get3A_716 = vector.load %arg2[%get3A_714, %get3A_715] : memref<32x8192xbf16, #tpu.memory_space<vmem>>, vector<32x128xbf16>
    %dot_general3A_717 = arith.constant dense<0.000000e+00> : vector<1024x128xf32>
    %dot_general3A_718 = tpu.matmul %convert_element_type3A, %get3A_716, %dot_general3A_717 {dimension_numbers = #tpu.dot_dimension_numbers<[1], [0], [0], [1], [0, 0, 1, 1], [], []>, transpose_lhs_hint = false} : vector<1024x32xbf16>, vector<32x128xbf16>, vector<1024x128xf32> -> vector<1024x128xf32>
    %get3A_719 = arith.constant 0 : index
    %get3A_720 = arith.constant 3968 : index
    %get3A_721 = vector.load %arg4[%get3A_719, %get3A_720] : memref<1x8192xf32, #tpu.memory_space<vmem>>, vector<1x128xf32>
    %get3A_722 = vector.shape_cast %get3A_721 : vector<1x128xf32> to vector<128xf32>
    %reshape3A_723 = vector.shape_cast %get3A_722 : vector<128xf32> to vector<1x128xf32>
    %add3A_724 = vector.broadcast %reshape3A : vector<1024x1xf32> to vector<1024x128xf32>
    %add3A_725 = vector.broadcast %reshape3A_723 : vector<1x128xf32> to vector<1024x128xf32>
    %add3A_726 = arith.addf %add3A_724, %add3A_725 : vector<1024x128xf32>
    %sub3A_727 = arith.subf %add3A_726, %dot_general3A_718 : vector<1024x128xf32>
    %max3A_728 = arith.constant 0.000000e+00 : f32
    %max3A_729 = vector.broadcast %max3A_728 : f32 to vector<1024x128xf32>
    %max3A_730 = arith.maximumf %sub3A_727, %max3A_729 : vector<1024x128xf32>
    %sqrt3A_731 = math.sqrt %max3A_730 : vector<1024x128xf32>
    %lt3A_732 = arith.cmpf olt, %sqrt3A_731, %select_n3A_710 : vector<1024x128xf32>
    %select_n3A_733 = arith.select %lt3A_732, %sqrt3A_731, %select_n3A_710 : vector<1024x128xi1>, vector<1024x128xf32>
    %jit3A_734 = arith.constant 31 : i32
    %broadcast_in_dim3A_735 = vector.broadcast %jit3A_734 : i32 to vector<1024x128xi32>
    %select_n3A_736 = arith.select %lt3A_732, %broadcast_in_dim3A_735, %select_n3A_713 : vector<1024x128xi1>, vector<1024x128xi32>
    %mul3A = arith.constant 128 : i32
    %mul3A_737 = vector.broadcast %mul3A : i32 to vector<1024x128xi32>
    %mul3A_738 = arith.muli %select_n3A_736, %mul3A_737 : vector<1024x128xi32>
    %iota3A = tpu.iota {dimensions = array<i32: 1>} : vector<1024x128xi32>
    %add3A_739 = arith.addi %mul3A_738, %iota3A : vector<1024x128xi32>
    %add3A_740 = arith.constant 0 : i32
    %add3A_741 = vector.broadcast %add3A_740 : i32 to vector<1024x128xi32>
    %add3A_742 = arith.addi %add3A_739, %add3A_741 : vector<1024x128xi32>
    %reduce_min3A = arith.constant dense<0x7F800000> : vector<1024xf32>
    %reduce_min3A_743 = vector.multi_reduction <minimumf>, %select_n3A_733, %reduce_min3A [1] : vector<1024x128xf32> to vector<1024xf32>
    %broadcast_in_dim3A_744 = vector.shape_cast %reduce_min3A_743 : vector<1024xf32> to vector<1024x1xf32>
    %eq3A = vector.broadcast %broadcast_in_dim3A_744 : vector<1024x1xf32> to vector<1024x128xf32>
    %eq3A_745 = arith.cmpf oeq, %select_n3A_733, %eq3A : vector<1024x128xf32>
    %jit3A_746 = arith.constant 8192 : i32
    %broadcast_in_dim3A_747 = vector.broadcast %jit3A_746 : i32 to vector<1024x128xi32>
    %select_n3A_748 = arith.select %eq3A_745, %add3A_742, %broadcast_in_dim3A_747 : vector<1024x128xi1>, vector<1024x128xi32>
    %reduce_min3A_749 = arith.constant dense<2147483647> : vector<1024xi32>
    %reduce_min3A_750 = vector.multi_reduction <minsi>, %select_n3A_748, %reduce_min3A_749 [1] : vector<1024x128xi32> to vector<1024xi32>
    %broadcast_in_dim3A_751 = vector.shape_cast %reduce_min3A_750 : vector<1024xi32> to vector<1024x1xi32>
    %broadcast_in_dim3A_752 = arith.constant 0x7F800000 : f32
    %broadcast_in_dim3A_753 = vector.broadcast %broadcast_in_dim3A_752 : f32 to vector<1024x128xf32>
    %broadcast_in_dim3A_754 = arith.constant 0 : i32
    %broadcast_in_dim3A_755 = vector.broadcast %broadcast_in_dim3A_754 : i32 to vector<1024x128xi32>
    %get3A_756 = arith.constant 0 : index
    %get3A_757 = arith.constant 4096 : index
    %get3A_758 = vector.load %arg2[%get3A_756, %get3A_757] : memref<32x8192xbf16, #tpu.memory_space<vmem>>, vector<32x128xbf16>
    %dot_general3A_759 = arith.constant dense<0.000000e+00> : vector<1024x128xf32>
    %dot_general3A_760 = tpu.matmul %convert_element_type3A, %get3A_758, %dot_general3A_759 {dimension_numbers = #tpu.dot_dimension_numbers<[1], [0], [0], [1], [0, 0, 1, 1], [], []>, transpose_lhs_hint = false} : vector<1024x32xbf16>, vector<32x128xbf16>, vector<1024x128xf32> -> vector<1024x128xf32>
    %get3A_761 = arith.constant 0 : index
    %get3A_762 = arith.constant 4096 : index
    %get3A_763 = vector.load %arg4[%get3A_761, %get3A_762] : memref<1x8192xf32, #tpu.memory_space<vmem>>, vector<1x128xf32>
    %get3A_764 = vector.shape_cast %get3A_763 : vector<1x128xf32> to vector<128xf32>
    %reshape3A_765 = vector.shape_cast %get3A_764 : vector<128xf32> to vector<1x128xf32>
    %add3A_766 = vector.broadcast %reshape3A : vector<1024x1xf32> to vector<1024x128xf32>
    %add3A_767 = vector.broadcast %reshape3A_765 : vector<1x128xf32> to vector<1024x128xf32>
    %add3A_768 = arith.addf %add3A_766, %add3A_767 : vector<1024x128xf32>
    %sub3A_769 = arith.subf %add3A_768, %dot_general3A_760 : vector<1024x128xf32>
    %max3A_770 = arith.constant 0.000000e+00 : f32
    %max3A_771 = vector.broadcast %max3A_770 : f32 to vector<1024x128xf32>
    %max3A_772 = arith.maximumf %sub3A_769, %max3A_771 : vector<1024x128xf32>
    %sqrt3A_773 = math.sqrt %max3A_772 : vector<1024x128xf32>
    %lt3A_774 = arith.cmpf olt, %sqrt3A_773, %broadcast_in_dim3A_753 : vector<1024x128xf32>
    %select_n3A_775 = arith.select %lt3A_774, %sqrt3A_773, %broadcast_in_dim3A_753 : vector<1024x128xi1>, vector<1024x128xf32>
    %jit3A_776 = arith.constant 0 : i32
    %broadcast_in_dim3A_777 = vector.broadcast %jit3A_776 : i32 to vector<1024x128xi32>
    %select_n3A_778 = arith.select %lt3A_774, %broadcast_in_dim3A_777, %broadcast_in_dim3A_755 : vector<1024x128xi1>, vector<1024x128xi32>
    %get3A_779 = arith.constant 0 : index
    %get3A_780 = arith.constant 4224 : index
    %get3A_781 = vector.load %arg2[%get3A_779, %get3A_780] : memref<32x8192xbf16, #tpu.memory_space<vmem>>, vector<32x128xbf16>
    %dot_general3A_782 = arith.constant dense<0.000000e+00> : vector<1024x128xf32>
    %dot_general3A_783 = tpu.matmul %convert_element_type3A, %get3A_781, %dot_general3A_782 {dimension_numbers = #tpu.dot_dimension_numbers<[1], [0], [0], [1], [0, 0, 1, 1], [], []>, transpose_lhs_hint = false} : vector<1024x32xbf16>, vector<32x128xbf16>, vector<1024x128xf32> -> vector<1024x128xf32>
    %get3A_784 = arith.constant 0 : index
    %get3A_785 = arith.constant 4224 : index
    %get3A_786 = vector.load %arg4[%get3A_784, %get3A_785] : memref<1x8192xf32, #tpu.memory_space<vmem>>, vector<1x128xf32>
    %get3A_787 = vector.shape_cast %get3A_786 : vector<1x128xf32> to vector<128xf32>
    %reshape3A_788 = vector.shape_cast %get3A_787 : vector<128xf32> to vector<1x128xf32>
    %add3A_789 = vector.broadcast %reshape3A : vector<1024x1xf32> to vector<1024x128xf32>
    %add3A_790 = vector.broadcast %reshape3A_788 : vector<1x128xf32> to vector<1024x128xf32>
    %add3A_791 = arith.addf %add3A_789, %add3A_790 : vector<1024x128xf32>
    %sub3A_792 = arith.subf %add3A_791, %dot_general3A_783 : vector<1024x128xf32>
    %max3A_793 = arith.constant 0.000000e+00 : f32
    %max3A_794 = vector.broadcast %max3A_793 : f32 to vector<1024x128xf32>
    %max3A_795 = arith.maximumf %sub3A_792, %max3A_794 : vector<1024x128xf32>
    %sqrt3A_796 = math.sqrt %max3A_795 : vector<1024x128xf32>
    %lt3A_797 = arith.cmpf olt, %sqrt3A_796, %select_n3A_775 : vector<1024x128xf32>
    %select_n3A_798 = arith.select %lt3A_797, %sqrt3A_796, %select_n3A_775 : vector<1024x128xi1>, vector<1024x128xf32>
    %jit3A_799 = arith.constant 1 : i32
    %broadcast_in_dim3A_800 = vector.broadcast %jit3A_799 : i32 to vector<1024x128xi32>
    %select_n3A_801 = arith.select %lt3A_797, %broadcast_in_dim3A_800, %select_n3A_778 : vector<1024x128xi1>, vector<1024x128xi32>
    %get3A_802 = arith.constant 0 : index
    %get3A_803 = arith.constant 4352 : index
    %get3A_804 = vector.load %arg2[%get3A_802, %get3A_803] : memref<32x8192xbf16, #tpu.memory_space<vmem>>, vector<32x128xbf16>
    %dot_general3A_805 = arith.constant dense<0.000000e+00> : vector<1024x128xf32>
    %dot_general3A_806 = tpu.matmul %convert_element_type3A, %get3A_804, %dot_general3A_805 {dimension_numbers = #tpu.dot_dimension_numbers<[1], [0], [0], [1], [0, 0, 1, 1], [], []>, transpose_lhs_hint = false} : vector<1024x32xbf16>, vector<32x128xbf16>, vector<1024x128xf32> -> vector<1024x128xf32>
    %get3A_807 = arith.constant 0 : index
    %get3A_808 = arith.constant 4352 : index
    %get3A_809 = vector.load %arg4[%get3A_807, %get3A_808] : memref<1x8192xf32, #tpu.memory_space<vmem>>, vector<1x128xf32>
    %get3A_810 = vector.shape_cast %get3A_809 : vector<1x128xf32> to vector<128xf32>
    %reshape3A_811 = vector.shape_cast %get3A_810 : vector<128xf32> to vector<1x128xf32>
    %add3A_812 = vector.broadcast %reshape3A : vector<1024x1xf32> to vector<1024x128xf32>
    %add3A_813 = vector.broadcast %reshape3A_811 : vector<1x128xf32> to vector<1024x128xf32>
    %add3A_814 = arith.addf %add3A_812, %add3A_813 : vector<1024x128xf32>
    %sub3A_815 = arith.subf %add3A_814, %dot_general3A_806 : vector<1024x128xf32>
    %max3A_816 = arith.constant 0.000000e+00 : f32
    %max3A_817 = vector.broadcast %max3A_816 : f32 to vector<1024x128xf32>
    %max3A_818 = arith.maximumf %sub3A_815, %max3A_817 : vector<1024x128xf32>
    %sqrt3A_819 = math.sqrt %max3A_818 : vector<1024x128xf32>
    %lt3A_820 = arith.cmpf olt, %sqrt3A_819, %select_n3A_798 : vector<1024x128xf32>
    %select_n3A_821 = arith.select %lt3A_820, %sqrt3A_819, %select_n3A_798 : vector<1024x128xi1>, vector<1024x128xf32>
    %jit3A_822 = arith.constant 2 : i32
    %broadcast_in_dim3A_823 = vector.broadcast %jit3A_822 : i32 to vector<1024x128xi32>
    %select_n3A_824 = arith.select %lt3A_820, %broadcast_in_dim3A_823, %select_n3A_801 : vector<1024x128xi1>, vector<1024x128xi32>
    %get3A_825 = arith.constant 0 : index
    %get3A_826 = arith.constant 4480 : index
    %get3A_827 = vector.load %arg2[%get3A_825, %get3A_826] : memref<32x8192xbf16, #tpu.memory_space<vmem>>, vector<32x128xbf16>
    %dot_general3A_828 = arith.constant dense<0.000000e+00> : vector<1024x128xf32>
    %dot_general3A_829 = tpu.matmul %convert_element_type3A, %get3A_827, %dot_general3A_828 {dimension_numbers = #tpu.dot_dimension_numbers<[1], [0], [0], [1], [0, 0, 1, 1], [], []>, transpose_lhs_hint = false} : vector<1024x32xbf16>, vector<32x128xbf16>, vector<1024x128xf32> -> vector<1024x128xf32>
    %get3A_830 = arith.constant 0 : index
    %get3A_831 = arith.constant 4480 : index
    %get3A_832 = vector.load %arg4[%get3A_830, %get3A_831] : memref<1x8192xf32, #tpu.memory_space<vmem>>, vector<1x128xf32>
    %get3A_833 = vector.shape_cast %get3A_832 : vector<1x128xf32> to vector<128xf32>
    %reshape3A_834 = vector.shape_cast %get3A_833 : vector<128xf32> to vector<1x128xf32>
    %add3A_835 = vector.broadcast %reshape3A : vector<1024x1xf32> to vector<1024x128xf32>
    %add3A_836 = vector.broadcast %reshape3A_834 : vector<1x128xf32> to vector<1024x128xf32>
    %add3A_837 = arith.addf %add3A_835, %add3A_836 : vector<1024x128xf32>
    %sub3A_838 = arith.subf %add3A_837, %dot_general3A_829 : vector<1024x128xf32>
    %max3A_839 = arith.constant 0.000000e+00 : f32
    %max3A_840 = vector.broadcast %max3A_839 : f32 to vector<1024x128xf32>
    %max3A_841 = arith.maximumf %sub3A_838, %max3A_840 : vector<1024x128xf32>
    %sqrt3A_842 = math.sqrt %max3A_841 : vector<1024x128xf32>
    %lt3A_843 = arith.cmpf olt, %sqrt3A_842, %select_n3A_821 : vector<1024x128xf32>
    %select_n3A_844 = arith.select %lt3A_843, %sqrt3A_842, %select_n3A_821 : vector<1024x128xi1>, vector<1024x128xf32>
    %jit3A_845 = arith.constant 3 : i32
    %broadcast_in_dim3A_846 = vector.broadcast %jit3A_845 : i32 to vector<1024x128xi32>
    %select_n3A_847 = arith.select %lt3A_843, %broadcast_in_dim3A_846, %select_n3A_824 : vector<1024x128xi1>, vector<1024x128xi32>
    %get3A_848 = arith.constant 0 : index
    %get3A_849 = arith.constant 4608 : index
    %get3A_850 = vector.load %arg2[%get3A_848, %get3A_849] : memref<32x8192xbf16, #tpu.memory_space<vmem>>, vector<32x128xbf16>
    %dot_general3A_851 = arith.constant dense<0.000000e+00> : vector<1024x128xf32>
    %dot_general3A_852 = tpu.matmul %convert_element_type3A, %get3A_850, %dot_general3A_851 {dimension_numbers = #tpu.dot_dimension_numbers<[1], [0], [0], [1], [0, 0, 1, 1], [], []>, transpose_lhs_hint = false} : vector<1024x32xbf16>, vector<32x128xbf16>, vector<1024x128xf32> -> vector<1024x128xf32>
    %get3A_853 = arith.constant 0 : index
    %get3A_854 = arith.constant 4608 : index
    %get3A_855 = vector.load %arg4[%get3A_853, %get3A_854] : memref<1x8192xf32, #tpu.memory_space<vmem>>, vector<1x128xf32>
    %get3A_856 = vector.shape_cast %get3A_855 : vector<1x128xf32> to vector<128xf32>
    %reshape3A_857 = vector.shape_cast %get3A_856 : vector<128xf32> to vector<1x128xf32>
    %add3A_858 = vector.broadcast %reshape3A : vector<1024x1xf32> to vector<1024x128xf32>
    %add3A_859 = vector.broadcast %reshape3A_857 : vector<1x128xf32> to vector<1024x128xf32>
    %add3A_860 = arith.addf %add3A_858, %add3A_859 : vector<1024x128xf32>
    %sub3A_861 = arith.subf %add3A_860, %dot_general3A_852 : vector<1024x128xf32>
    %max3A_862 = arith.constant 0.000000e+00 : f32
    %max3A_863 = vector.broadcast %max3A_862 : f32 to vector<1024x128xf32>
    %max3A_864 = arith.maximumf %sub3A_861, %max3A_863 : vector<1024x128xf32>
    %sqrt3A_865 = math.sqrt %max3A_864 : vector<1024x128xf32>
    %lt3A_866 = arith.cmpf olt, %sqrt3A_865, %select_n3A_844 : vector<1024x128xf32>
    %select_n3A_867 = arith.select %lt3A_866, %sqrt3A_865, %select_n3A_844 : vector<1024x128xi1>, vector<1024x128xf32>
    %jit3A_868 = arith.constant 4 : i32
    %broadcast_in_dim3A_869 = vector.broadcast %jit3A_868 : i32 to vector<1024x128xi32>
    %select_n3A_870 = arith.select %lt3A_866, %broadcast_in_dim3A_869, %select_n3A_847 : vector<1024x128xi1>, vector<1024x128xi32>
    %get3A_871 = arith.constant 0 : index
    %get3A_872 = arith.constant 4736 : index
    %get3A_873 = vector.load %arg2[%get3A_871, %get3A_872] : memref<32x8192xbf16, #tpu.memory_space<vmem>>, vector<32x128xbf16>
    %dot_general3A_874 = arith.constant dense<0.000000e+00> : vector<1024x128xf32>
    %dot_general3A_875 = tpu.matmul %convert_element_type3A, %get3A_873, %dot_general3A_874 {dimension_numbers = #tpu.dot_dimension_numbers<[1], [0], [0], [1], [0, 0, 1, 1], [], []>, transpose_lhs_hint = false} : vector<1024x32xbf16>, vector<32x128xbf16>, vector<1024x128xf32> -> vector<1024x128xf32>
    %get3A_876 = arith.constant 0 : index
    %get3A_877 = arith.constant 4736 : index
    %get3A_878 = vector.load %arg4[%get3A_876, %get3A_877] : memref<1x8192xf32, #tpu.memory_space<vmem>>, vector<1x128xf32>
    %get3A_879 = vector.shape_cast %get3A_878 : vector<1x128xf32> to vector<128xf32>
    %reshape3A_880 = vector.shape_cast %get3A_879 : vector<128xf32> to vector<1x128xf32>
    %add3A_881 = vector.broadcast %reshape3A : vector<1024x1xf32> to vector<1024x128xf32>
    %add3A_882 = vector.broadcast %reshape3A_880 : vector<1x128xf32> to vector<1024x128xf32>
    %add3A_883 = arith.addf %add3A_881, %add3A_882 : vector<1024x128xf32>
    %sub3A_884 = arith.subf %add3A_883, %dot_general3A_875 : vector<1024x128xf32>
    %max3A_885 = arith.constant 0.000000e+00 : f32
    %max3A_886 = vector.broadcast %max3A_885 : f32 to vector<1024x128xf32>
    %max3A_887 = arith.maximumf %sub3A_884, %max3A_886 : vector<1024x128xf32>
    %sqrt3A_888 = math.sqrt %max3A_887 : vector<1024x128xf32>
    %lt3A_889 = arith.cmpf olt, %sqrt3A_888, %select_n3A_867 : vector<1024x128xf32>
    %select_n3A_890 = arith.select %lt3A_889, %sqrt3A_888, %select_n3A_867 : vector<1024x128xi1>, vector<1024x128xf32>
    %jit3A_891 = arith.constant 5 : i32
    %broadcast_in_dim3A_892 = vector.broadcast %jit3A_891 : i32 to vector<1024x128xi32>
    %select_n3A_893 = arith.select %lt3A_889, %broadcast_in_dim3A_892, %select_n3A_870 : vector<1024x128xi1>, vector<1024x128xi32>
    %get3A_894 = arith.constant 0 : index
    %get3A_895 = arith.constant 4864 : index
    %get3A_896 = vector.load %arg2[%get3A_894, %get3A_895] : memref<32x8192xbf16, #tpu.memory_space<vmem>>, vector<32x128xbf16>
    %dot_general3A_897 = arith.constant dense<0.000000e+00> : vector<1024x128xf32>
    %dot_general3A_898 = tpu.matmul %convert_element_type3A, %get3A_896, %dot_general3A_897 {dimension_numbers = #tpu.dot_dimension_numbers<[1], [0], [0], [1], [0, 0, 1, 1], [], []>, transpose_lhs_hint = false} : vector<1024x32xbf16>, vector<32x128xbf16>, vector<1024x128xf32> -> vector<1024x128xf32>
    %get3A_899 = arith.constant 0 : index
    %get3A_900 = arith.constant 4864 : index
    %get3A_901 = vector.load %arg4[%get3A_899, %get3A_900] : memref<1x8192xf32, #tpu.memory_space<vmem>>, vector<1x128xf32>
    %get3A_902 = vector.shape_cast %get3A_901 : vector<1x128xf32> to vector<128xf32>
    %reshape3A_903 = vector.shape_cast %get3A_902 : vector<128xf32> to vector<1x128xf32>
    %add3A_904 = vector.broadcast %reshape3A : vector<1024x1xf32> to vector<1024x128xf32>
    %add3A_905 = vector.broadcast %reshape3A_903 : vector<1x128xf32> to vector<1024x128xf32>
    %add3A_906 = arith.addf %add3A_904, %add3A_905 : vector<1024x128xf32>
    %sub3A_907 = arith.subf %add3A_906, %dot_general3A_898 : vector<1024x128xf32>
    %max3A_908 = arith.constant 0.000000e+00 : f32
    %max3A_909 = vector.broadcast %max3A_908 : f32 to vector<1024x128xf32>
    %max3A_910 = arith.maximumf %sub3A_907, %max3A_909 : vector<1024x128xf32>
    %sqrt3A_911 = math.sqrt %max3A_910 : vector<1024x128xf32>
    %lt3A_912 = arith.cmpf olt, %sqrt3A_911, %select_n3A_890 : vector<1024x128xf32>
    %select_n3A_913 = arith.select %lt3A_912, %sqrt3A_911, %select_n3A_890 : vector<1024x128xi1>, vector<1024x128xf32>
    %jit3A_914 = arith.constant 6 : i32
    %broadcast_in_dim3A_915 = vector.broadcast %jit3A_914 : i32 to vector<1024x128xi32>
    %select_n3A_916 = arith.select %lt3A_912, %broadcast_in_dim3A_915, %select_n3A_893 : vector<1024x128xi1>, vector<1024x128xi32>
    %get3A_917 = arith.constant 0 : index
    %get3A_918 = arith.constant 4992 : index
    %get3A_919 = vector.load %arg2[%get3A_917, %get3A_918] : memref<32x8192xbf16, #tpu.memory_space<vmem>>, vector<32x128xbf16>
    %dot_general3A_920 = arith.constant dense<0.000000e+00> : vector<1024x128xf32>
    %dot_general3A_921 = tpu.matmul %convert_element_type3A, %get3A_919, %dot_general3A_920 {dimension_numbers = #tpu.dot_dimension_numbers<[1], [0], [0], [1], [0, 0, 1, 1], [], []>, transpose_lhs_hint = false} : vector<1024x32xbf16>, vector<32x128xbf16>, vector<1024x128xf32> -> vector<1024x128xf32>
    %get3A_922 = arith.constant 0 : index
    %get3A_923 = arith.constant 4992 : index
    %get3A_924 = vector.load %arg4[%get3A_922, %get3A_923] : memref<1x8192xf32, #tpu.memory_space<vmem>>, vector<1x128xf32>
    %get3A_925 = vector.shape_cast %get3A_924 : vector<1x128xf32> to vector<128xf32>
    %reshape3A_926 = vector.shape_cast %get3A_925 : vector<128xf32> to vector<1x128xf32>
    %add3A_927 = vector.broadcast %reshape3A : vector<1024x1xf32> to vector<1024x128xf32>
    %add3A_928 = vector.broadcast %reshape3A_926 : vector<1x128xf32> to vector<1024x128xf32>
    %add3A_929 = arith.addf %add3A_927, %add3A_928 : vector<1024x128xf32>
    %sub3A_930 = arith.subf %add3A_929, %dot_general3A_921 : vector<1024x128xf32>
    %max3A_931 = arith.constant 0.000000e+00 : f32
    %max3A_932 = vector.broadcast %max3A_931 : f32 to vector<1024x128xf32>
    %max3A_933 = arith.maximumf %sub3A_930, %max3A_932 : vector<1024x128xf32>
    %sqrt3A_934 = math.sqrt %max3A_933 : vector<1024x128xf32>
    %lt3A_935 = arith.cmpf olt, %sqrt3A_934, %select_n3A_913 : vector<1024x128xf32>
    %select_n3A_936 = arith.select %lt3A_935, %sqrt3A_934, %select_n3A_913 : vector<1024x128xi1>, vector<1024x128xf32>
    %jit3A_937 = arith.constant 7 : i32
    %broadcast_in_dim3A_938 = vector.broadcast %jit3A_937 : i32 to vector<1024x128xi32>
    %select_n3A_939 = arith.select %lt3A_935, %broadcast_in_dim3A_938, %select_n3A_916 : vector<1024x128xi1>, vector<1024x128xi32>
    %get3A_940 = arith.constant 0 : index
    %get3A_941 = arith.constant 5120 : index
    %get3A_942 = vector.load %arg2[%get3A_940, %get3A_941] : memref<32x8192xbf16, #tpu.memory_space<vmem>>, vector<32x128xbf16>
    %dot_general3A_943 = arith.constant dense<0.000000e+00> : vector<1024x128xf32>
    %dot_general3A_944 = tpu.matmul %convert_element_type3A, %get3A_942, %dot_general3A_943 {dimension_numbers = #tpu.dot_dimension_numbers<[1], [0], [0], [1], [0, 0, 1, 1], [], []>, transpose_lhs_hint = false} : vector<1024x32xbf16>, vector<32x128xbf16>, vector<1024x128xf32> -> vector<1024x128xf32>
    %get3A_945 = arith.constant 0 : index
    %get3A_946 = arith.constant 5120 : index
    %get3A_947 = vector.load %arg4[%get3A_945, %get3A_946] : memref<1x8192xf32, #tpu.memory_space<vmem>>, vector<1x128xf32>
    %get3A_948 = vector.shape_cast %get3A_947 : vector<1x128xf32> to vector<128xf32>
    %reshape3A_949 = vector.shape_cast %get3A_948 : vector<128xf32> to vector<1x128xf32>
    %add3A_950 = vector.broadcast %reshape3A : vector<1024x1xf32> to vector<1024x128xf32>
    %add3A_951 = vector.broadcast %reshape3A_949 : vector<1x128xf32> to vector<1024x128xf32>
    %add3A_952 = arith.addf %add3A_950, %add3A_951 : vector<1024x128xf32>
    %sub3A_953 = arith.subf %add3A_952, %dot_general3A_944 : vector<1024x128xf32>
    %max3A_954 = arith.constant 0.000000e+00 : f32
    %max3A_955 = vector.broadcast %max3A_954 : f32 to vector<1024x128xf32>
    %max3A_956 = arith.maximumf %sub3A_953, %max3A_955 : vector<1024x128xf32>
    %sqrt3A_957 = math.sqrt %max3A_956 : vector<1024x128xf32>
    %lt3A_958 = arith.cmpf olt, %sqrt3A_957, %select_n3A_936 : vector<1024x128xf32>
    %select_n3A_959 = arith.select %lt3A_958, %sqrt3A_957, %select_n3A_936 : vector<1024x128xi1>, vector<1024x128xf32>
    %jit3A_960 = arith.constant 8 : i32
    %broadcast_in_dim3A_961 = vector.broadcast %jit3A_960 : i32 to vector<1024x128xi32>
    %select_n3A_962 = arith.select %lt3A_958, %broadcast_in_dim3A_961, %select_n3A_939 : vector<1024x128xi1>, vector<1024x128xi32>
    %get3A_963 = arith.constant 0 : index
    %get3A_964 = arith.constant 5248 : index
    %get3A_965 = vector.load %arg2[%get3A_963, %get3A_964] : memref<32x8192xbf16, #tpu.memory_space<vmem>>, vector<32x128xbf16>
    %dot_general3A_966 = arith.constant dense<0.000000e+00> : vector<1024x128xf32>
    %dot_general3A_967 = tpu.matmul %convert_element_type3A, %get3A_965, %dot_general3A_966 {dimension_numbers = #tpu.dot_dimension_numbers<[1], [0], [0], [1], [0, 0, 1, 1], [], []>, transpose_lhs_hint = false} : vector<1024x32xbf16>, vector<32x128xbf16>, vector<1024x128xf32> -> vector<1024x128xf32>
    %get3A_968 = arith.constant 0 : index
    %get3A_969 = arith.constant 5248 : index
    %get3A_970 = vector.load %arg4[%get3A_968, %get3A_969] : memref<1x8192xf32, #tpu.memory_space<vmem>>, vector<1x128xf32>
    %get3A_971 = vector.shape_cast %get3A_970 : vector<1x128xf32> to vector<128xf32>
    %reshape3A_972 = vector.shape_cast %get3A_971 : vector<128xf32> to vector<1x128xf32>
    %add3A_973 = vector.broadcast %reshape3A : vector<1024x1xf32> to vector<1024x128xf32>
    %add3A_974 = vector.broadcast %reshape3A_972 : vector<1x128xf32> to vector<1024x128xf32>
    %add3A_975 = arith.addf %add3A_973, %add3A_974 : vector<1024x128xf32>
    %sub3A_976 = arith.subf %add3A_975, %dot_general3A_967 : vector<1024x128xf32>
    %max3A_977 = arith.constant 0.000000e+00 : f32
    %max3A_978 = vector.broadcast %max3A_977 : f32 to vector<1024x128xf32>
    %max3A_979 = arith.maximumf %sub3A_976, %max3A_978 : vector<1024x128xf32>
    %sqrt3A_980 = math.sqrt %max3A_979 : vector<1024x128xf32>
    %lt3A_981 = arith.cmpf olt, %sqrt3A_980, %select_n3A_959 : vector<1024x128xf32>
    %select_n3A_982 = arith.select %lt3A_981, %sqrt3A_980, %select_n3A_959 : vector<1024x128xi1>, vector<1024x128xf32>
    %jit3A_983 = arith.constant 9 : i32
    %broadcast_in_dim3A_984 = vector.broadcast %jit3A_983 : i32 to vector<1024x128xi32>
    %select_n3A_985 = arith.select %lt3A_981, %broadcast_in_dim3A_984, %select_n3A_962 : vector<1024x128xi1>, vector<1024x128xi32>
    %get3A_986 = arith.constant 0 : index
    %get3A_987 = arith.constant 5376 : index
    %get3A_988 = vector.load %arg2[%get3A_986, %get3A_987] : memref<32x8192xbf16, #tpu.memory_space<vmem>>, vector<32x128xbf16>
    %dot_general3A_989 = arith.constant dense<0.000000e+00> : vector<1024x128xf32>
    %dot_general3A_990 = tpu.matmul %convert_element_type3A, %get3A_988, %dot_general3A_989 {dimension_numbers = #tpu.dot_dimension_numbers<[1], [0], [0], [1], [0, 0, 1, 1], [], []>, transpose_lhs_hint = false} : vector<1024x32xbf16>, vector<32x128xbf16>, vector<1024x128xf32> -> vector<1024x128xf32>
    %get3A_991 = arith.constant 0 : index
    %get3A_992 = arith.constant 5376 : index
    %get3A_993 = vector.load %arg4[%get3A_991, %get3A_992] : memref<1x8192xf32, #tpu.memory_space<vmem>>, vector<1x128xf32>
    %get3A_994 = vector.shape_cast %get3A_993 : vector<1x128xf32> to vector<128xf32>
    %reshape3A_995 = vector.shape_cast %get3A_994 : vector<128xf32> to vector<1x128xf32>
    %add3A_996 = vector.broadcast %reshape3A : vector<1024x1xf32> to vector<1024x128xf32>
    %add3A_997 = vector.broadcast %reshape3A_995 : vector<1x128xf32> to vector<1024x128xf32>
    %add3A_998 = arith.addf %add3A_996, %add3A_997 : vector<1024x128xf32>
    %sub3A_999 = arith.subf %add3A_998, %dot_general3A_990 : vector<1024x128xf32>
    %max3A_1000 = arith.constant 0.000000e+00 : f32
    %max3A_1001 = vector.broadcast %max3A_1000 : f32 to vector<1024x128xf32>
    %max3A_1002 = arith.maximumf %sub3A_999, %max3A_1001 : vector<1024x128xf32>
    %sqrt3A_1003 = math.sqrt %max3A_1002 : vector<1024x128xf32>
    %lt3A_1004 = arith.cmpf olt, %sqrt3A_1003, %select_n3A_982 : vector<1024x128xf32>
    %select_n3A_1005 = arith.select %lt3A_1004, %sqrt3A_1003, %select_n3A_982 : vector<1024x128xi1>, vector<1024x128xf32>
    %jit3A_1006 = arith.constant 10 : i32
    %broadcast_in_dim3A_1007 = vector.broadcast %jit3A_1006 : i32 to vector<1024x128xi32>
    %select_n3A_1008 = arith.select %lt3A_1004, %broadcast_in_dim3A_1007, %select_n3A_985 : vector<1024x128xi1>, vector<1024x128xi32>
    %get3A_1009 = arith.constant 0 : index
    %get3A_1010 = arith.constant 5504 : index
    %get3A_1011 = vector.load %arg2[%get3A_1009, %get3A_1010] : memref<32x8192xbf16, #tpu.memory_space<vmem>>, vector<32x128xbf16>
    %dot_general3A_1012 = arith.constant dense<0.000000e+00> : vector<1024x128xf32>
    %dot_general3A_1013 = tpu.matmul %convert_element_type3A, %get3A_1011, %dot_general3A_1012 {dimension_numbers = #tpu.dot_dimension_numbers<[1], [0], [0], [1], [0, 0, 1, 1], [], []>, transpose_lhs_hint = false} : vector<1024x32xbf16>, vector<32x128xbf16>, vector<1024x128xf32> -> vector<1024x128xf32>
    %get3A_1014 = arith.constant 0 : index
    %get3A_1015 = arith.constant 5504 : index
    %get3A_1016 = vector.load %arg4[%get3A_1014, %get3A_1015] : memref<1x8192xf32, #tpu.memory_space<vmem>>, vector<1x128xf32>
    %get3A_1017 = vector.shape_cast %get3A_1016 : vector<1x128xf32> to vector<128xf32>
    %reshape3A_1018 = vector.shape_cast %get3A_1017 : vector<128xf32> to vector<1x128xf32>
    %add3A_1019 = vector.broadcast %reshape3A : vector<1024x1xf32> to vector<1024x128xf32>
    %add3A_1020 = vector.broadcast %reshape3A_1018 : vector<1x128xf32> to vector<1024x128xf32>
    %add3A_1021 = arith.addf %add3A_1019, %add3A_1020 : vector<1024x128xf32>
    %sub3A_1022 = arith.subf %add3A_1021, %dot_general3A_1013 : vector<1024x128xf32>
    %max3A_1023 = arith.constant 0.000000e+00 : f32
    %max3A_1024 = vector.broadcast %max3A_1023 : f32 to vector<1024x128xf32>
    %max3A_1025 = arith.maximumf %sub3A_1022, %max3A_1024 : vector<1024x128xf32>
    %sqrt3A_1026 = math.sqrt %max3A_1025 : vector<1024x128xf32>
    %lt3A_1027 = arith.cmpf olt, %sqrt3A_1026, %select_n3A_1005 : vector<1024x128xf32>
    %select_n3A_1028 = arith.select %lt3A_1027, %sqrt3A_1026, %select_n3A_1005 : vector<1024x128xi1>, vector<1024x128xf32>
    %jit3A_1029 = arith.constant 11 : i32
    %broadcast_in_dim3A_1030 = vector.broadcast %jit3A_1029 : i32 to vector<1024x128xi32>
    %select_n3A_1031 = arith.select %lt3A_1027, %broadcast_in_dim3A_1030, %select_n3A_1008 : vector<1024x128xi1>, vector<1024x128xi32>
    %get3A_1032 = arith.constant 0 : index
    %get3A_1033 = arith.constant 5632 : index
    %get3A_1034 = vector.load %arg2[%get3A_1032, %get3A_1033] : memref<32x8192xbf16, #tpu.memory_space<vmem>>, vector<32x128xbf16>
    %dot_general3A_1035 = arith.constant dense<0.000000e+00> : vector<1024x128xf32>
    %dot_general3A_1036 = tpu.matmul %convert_element_type3A, %get3A_1034, %dot_general3A_1035 {dimension_numbers = #tpu.dot_dimension_numbers<[1], [0], [0], [1], [0, 0, 1, 1], [], []>, transpose_lhs_hint = false} : vector<1024x32xbf16>, vector<32x128xbf16>, vector<1024x128xf32> -> vector<1024x128xf32>
    %get3A_1037 = arith.constant 0 : index
    %get3A_1038 = arith.constant 5632 : index
    %get3A_1039 = vector.load %arg4[%get3A_1037, %get3A_1038] : memref<1x8192xf32, #tpu.memory_space<vmem>>, vector<1x128xf32>
    %get3A_1040 = vector.shape_cast %get3A_1039 : vector<1x128xf32> to vector<128xf32>
    %reshape3A_1041 = vector.shape_cast %get3A_1040 : vector<128xf32> to vector<1x128xf32>
    %add3A_1042 = vector.broadcast %reshape3A : vector<1024x1xf32> to vector<1024x128xf32>
    %add3A_1043 = vector.broadcast %reshape3A_1041 : vector<1x128xf32> to vector<1024x128xf32>
    %add3A_1044 = arith.addf %add3A_1042, %add3A_1043 : vector<1024x128xf32>
    %sub3A_1045 = arith.subf %add3A_1044, %dot_general3A_1036 : vector<1024x128xf32>
    %max3A_1046 = arith.constant 0.000000e+00 : f32
    %max3A_1047 = vector.broadcast %max3A_1046 : f32 to vector<1024x128xf32>
    %max3A_1048 = arith.maximumf %sub3A_1045, %max3A_1047 : vector<1024x128xf32>
    %sqrt3A_1049 = math.sqrt %max3A_1048 : vector<1024x128xf32>
    %lt3A_1050 = arith.cmpf olt, %sqrt3A_1049, %select_n3A_1028 : vector<1024x128xf32>
    %select_n3A_1051 = arith.select %lt3A_1050, %sqrt3A_1049, %select_n3A_1028 : vector<1024x128xi1>, vector<1024x128xf32>
    %jit3A_1052 = arith.constant 12 : i32
    %broadcast_in_dim3A_1053 = vector.broadcast %jit3A_1052 : i32 to vector<1024x128xi32>
    %select_n3A_1054 = arith.select %lt3A_1050, %broadcast_in_dim3A_1053, %select_n3A_1031 : vector<1024x128xi1>, vector<1024x128xi32>
    %get3A_1055 = arith.constant 0 : index
    %get3A_1056 = arith.constant 5760 : index
    %get3A_1057 = vector.load %arg2[%get3A_1055, %get3A_1056] : memref<32x8192xbf16, #tpu.memory_space<vmem>>, vector<32x128xbf16>
    %dot_general3A_1058 = arith.constant dense<0.000000e+00> : vector<1024x128xf32>
    %dot_general3A_1059 = tpu.matmul %convert_element_type3A, %get3A_1057, %dot_general3A_1058 {dimension_numbers = #tpu.dot_dimension_numbers<[1], [0], [0], [1], [0, 0, 1, 1], [], []>, transpose_lhs_hint = false} : vector<1024x32xbf16>, vector<32x128xbf16>, vector<1024x128xf32> -> vector<1024x128xf32>
    %get3A_1060 = arith.constant 0 : index
    %get3A_1061 = arith.constant 5760 : index
    %get3A_1062 = vector.load %arg4[%get3A_1060, %get3A_1061] : memref<1x8192xf32, #tpu.memory_space<vmem>>, vector<1x128xf32>
    %get3A_1063 = vector.shape_cast %get3A_1062 : vector<1x128xf32> to vector<128xf32>
    %reshape3A_1064 = vector.shape_cast %get3A_1063 : vector<128xf32> to vector<1x128xf32>
    %add3A_1065 = vector.broadcast %reshape3A : vector<1024x1xf32> to vector<1024x128xf32>
    %add3A_1066 = vector.broadcast %reshape3A_1064 : vector<1x128xf32> to vector<1024x128xf32>
    %add3A_1067 = arith.addf %add3A_1065, %add3A_1066 : vector<1024x128xf32>
    %sub3A_1068 = arith.subf %add3A_1067, %dot_general3A_1059 : vector<1024x128xf32>
    %max3A_1069 = arith.constant 0.000000e+00 : f32
    %max3A_1070 = vector.broadcast %max3A_1069 : f32 to vector<1024x128xf32>
    %max3A_1071 = arith.maximumf %sub3A_1068, %max3A_1070 : vector<1024x128xf32>
    %sqrt3A_1072 = math.sqrt %max3A_1071 : vector<1024x128xf32>
    %lt3A_1073 = arith.cmpf olt, %sqrt3A_1072, %select_n3A_1051 : vector<1024x128xf32>
    %select_n3A_1074 = arith.select %lt3A_1073, %sqrt3A_1072, %select_n3A_1051 : vector<1024x128xi1>, vector<1024x128xf32>
    %jit3A_1075 = arith.constant 13 : i32
    %broadcast_in_dim3A_1076 = vector.broadcast %jit3A_1075 : i32 to vector<1024x128xi32>
    %select_n3A_1077 = arith.select %lt3A_1073, %broadcast_in_dim3A_1076, %select_n3A_1054 : vector<1024x128xi1>, vector<1024x128xi32>
    %get3A_1078 = arith.constant 0 : index
    %get3A_1079 = arith.constant 5888 : index
    %get3A_1080 = vector.load %arg2[%get3A_1078, %get3A_1079] : memref<32x8192xbf16, #tpu.memory_space<vmem>>, vector<32x128xbf16>
    %dot_general3A_1081 = arith.constant dense<0.000000e+00> : vector<1024x128xf32>
    %dot_general3A_1082 = tpu.matmul %convert_element_type3A, %get3A_1080, %dot_general3A_1081 {dimension_numbers = #tpu.dot_dimension_numbers<[1], [0], [0], [1], [0, 0, 1, 1], [], []>, transpose_lhs_hint = false} : vector<1024x32xbf16>, vector<32x128xbf16>, vector<1024x128xf32> -> vector<1024x128xf32>
    %get3A_1083 = arith.constant 0 : index
    %get3A_1084 = arith.constant 5888 : index
    %get3A_1085 = vector.load %arg4[%get3A_1083, %get3A_1084] : memref<1x8192xf32, #tpu.memory_space<vmem>>, vector<1x128xf32>
    %get3A_1086 = vector.shape_cast %get3A_1085 : vector<1x128xf32> to vector<128xf32>
    %reshape3A_1087 = vector.shape_cast %get3A_1086 : vector<128xf32> to vector<1x128xf32>
    %add3A_1088 = vector.broadcast %reshape3A : vector<1024x1xf32> to vector<1024x128xf32>
    %add3A_1089 = vector.broadcast %reshape3A_1087 : vector<1x128xf32> to vector<1024x128xf32>
    %add3A_1090 = arith.addf %add3A_1088, %add3A_1089 : vector<1024x128xf32>
    %sub3A_1091 = arith.subf %add3A_1090, %dot_general3A_1082 : vector<1024x128xf32>
    %max3A_1092 = arith.constant 0.000000e+00 : f32
    %max3A_1093 = vector.broadcast %max3A_1092 : f32 to vector<1024x128xf32>
    %max3A_1094 = arith.maximumf %sub3A_1091, %max3A_1093 : vector<1024x128xf32>
    %sqrt3A_1095 = math.sqrt %max3A_1094 : vector<1024x128xf32>
    %lt3A_1096 = arith.cmpf olt, %sqrt3A_1095, %select_n3A_1074 : vector<1024x128xf32>
    %select_n3A_1097 = arith.select %lt3A_1096, %sqrt3A_1095, %select_n3A_1074 : vector<1024x128xi1>, vector<1024x128xf32>
    %jit3A_1098 = arith.constant 14 : i32
    %broadcast_in_dim3A_1099 = vector.broadcast %jit3A_1098 : i32 to vector<1024x128xi32>
    %select_n3A_1100 = arith.select %lt3A_1096, %broadcast_in_dim3A_1099, %select_n3A_1077 : vector<1024x128xi1>, vector<1024x128xi32>
    %get3A_1101 = arith.constant 0 : index
    %get3A_1102 = arith.constant 6016 : index
    %get3A_1103 = vector.load %arg2[%get3A_1101, %get3A_1102] : memref<32x8192xbf16, #tpu.memory_space<vmem>>, vector<32x128xbf16>
    %dot_general3A_1104 = arith.constant dense<0.000000e+00> : vector<1024x128xf32>
    %dot_general3A_1105 = tpu.matmul %convert_element_type3A, %get3A_1103, %dot_general3A_1104 {dimension_numbers = #tpu.dot_dimension_numbers<[1], [0], [0], [1], [0, 0, 1, 1], [], []>, transpose_lhs_hint = false} : vector<1024x32xbf16>, vector<32x128xbf16>, vector<1024x128xf32> -> vector<1024x128xf32>
    %get3A_1106 = arith.constant 0 : index
    %get3A_1107 = arith.constant 6016 : index
    %get3A_1108 = vector.load %arg4[%get3A_1106, %get3A_1107] : memref<1x8192xf32, #tpu.memory_space<vmem>>, vector<1x128xf32>
    %get3A_1109 = vector.shape_cast %get3A_1108 : vector<1x128xf32> to vector<128xf32>
    %reshape3A_1110 = vector.shape_cast %get3A_1109 : vector<128xf32> to vector<1x128xf32>
    %add3A_1111 = vector.broadcast %reshape3A : vector<1024x1xf32> to vector<1024x128xf32>
    %add3A_1112 = vector.broadcast %reshape3A_1110 : vector<1x128xf32> to vector<1024x128xf32>
    %add3A_1113 = arith.addf %add3A_1111, %add3A_1112 : vector<1024x128xf32>
    %sub3A_1114 = arith.subf %add3A_1113, %dot_general3A_1105 : vector<1024x128xf32>
    %max3A_1115 = arith.constant 0.000000e+00 : f32
    %max3A_1116 = vector.broadcast %max3A_1115 : f32 to vector<1024x128xf32>
    %max3A_1117 = arith.maximumf %sub3A_1114, %max3A_1116 : vector<1024x128xf32>
    %sqrt3A_1118 = math.sqrt %max3A_1117 : vector<1024x128xf32>
    %lt3A_1119 = arith.cmpf olt, %sqrt3A_1118, %select_n3A_1097 : vector<1024x128xf32>
    %select_n3A_1120 = arith.select %lt3A_1119, %sqrt3A_1118, %select_n3A_1097 : vector<1024x128xi1>, vector<1024x128xf32>
    %jit3A_1121 = arith.constant 15 : i32
    %broadcast_in_dim3A_1122 = vector.broadcast %jit3A_1121 : i32 to vector<1024x128xi32>
    %select_n3A_1123 = arith.select %lt3A_1119, %broadcast_in_dim3A_1122, %select_n3A_1100 : vector<1024x128xi1>, vector<1024x128xi32>
    %get3A_1124 = arith.constant 0 : index
    %get3A_1125 = arith.constant 6144 : index
    %get3A_1126 = vector.load %arg2[%get3A_1124, %get3A_1125] : memref<32x8192xbf16, #tpu.memory_space<vmem>>, vector<32x128xbf16>
    %dot_general3A_1127 = arith.constant dense<0.000000e+00> : vector<1024x128xf32>
    %dot_general3A_1128 = tpu.matmul %convert_element_type3A, %get3A_1126, %dot_general3A_1127 {dimension_numbers = #tpu.dot_dimension_numbers<[1], [0], [0], [1], [0, 0, 1, 1], [], []>, transpose_lhs_hint = false} : vector<1024x32xbf16>, vector<32x128xbf16>, vector<1024x128xf32> -> vector<1024x128xf32>
    %get3A_1129 = arith.constant 0 : index
    %get3A_1130 = arith.constant 6144 : index
    %get3A_1131 = vector.load %arg4[%get3A_1129, %get3A_1130] : memref<1x8192xf32, #tpu.memory_space<vmem>>, vector<1x128xf32>
    %get3A_1132 = vector.shape_cast %get3A_1131 : vector<1x128xf32> to vector<128xf32>
    %reshape3A_1133 = vector.shape_cast %get3A_1132 : vector<128xf32> to vector<1x128xf32>
    %add3A_1134 = vector.broadcast %reshape3A : vector<1024x1xf32> to vector<1024x128xf32>
    %add3A_1135 = vector.broadcast %reshape3A_1133 : vector<1x128xf32> to vector<1024x128xf32>
    %add3A_1136 = arith.addf %add3A_1134, %add3A_1135 : vector<1024x128xf32>
    %sub3A_1137 = arith.subf %add3A_1136, %dot_general3A_1128 : vector<1024x128xf32>
    %max3A_1138 = arith.constant 0.000000e+00 : f32
    %max3A_1139 = vector.broadcast %max3A_1138 : f32 to vector<1024x128xf32>
    %max3A_1140 = arith.maximumf %sub3A_1137, %max3A_1139 : vector<1024x128xf32>
    %sqrt3A_1141 = math.sqrt %max3A_1140 : vector<1024x128xf32>
    %lt3A_1142 = arith.cmpf olt, %sqrt3A_1141, %select_n3A_1120 : vector<1024x128xf32>
    %select_n3A_1143 = arith.select %lt3A_1142, %sqrt3A_1141, %select_n3A_1120 : vector<1024x128xi1>, vector<1024x128xf32>
    %jit3A_1144 = arith.constant 16 : i32
    %broadcast_in_dim3A_1145 = vector.broadcast %jit3A_1144 : i32 to vector<1024x128xi32>
    %select_n3A_1146 = arith.select %lt3A_1142, %broadcast_in_dim3A_1145, %select_n3A_1123 : vector<1024x128xi1>, vector<1024x128xi32>
    %get3A_1147 = arith.constant 0 : index
    %get3A_1148 = arith.constant 6272 : index
    %get3A_1149 = vector.load %arg2[%get3A_1147, %get3A_1148] : memref<32x8192xbf16, #tpu.memory_space<vmem>>, vector<32x128xbf16>
    %dot_general3A_1150 = arith.constant dense<0.000000e+00> : vector<1024x128xf32>
    %dot_general3A_1151 = tpu.matmul %convert_element_type3A, %get3A_1149, %dot_general3A_1150 {dimension_numbers = #tpu.dot_dimension_numbers<[1], [0], [0], [1], [0, 0, 1, 1], [], []>, transpose_lhs_hint = false} : vector<1024x32xbf16>, vector<32x128xbf16>, vector<1024x128xf32> -> vector<1024x128xf32>
    %get3A_1152 = arith.constant 0 : index
    %get3A_1153 = arith.constant 6272 : index
    %get3A_1154 = vector.load %arg4[%get3A_1152, %get3A_1153] : memref<1x8192xf32, #tpu.memory_space<vmem>>, vector<1x128xf32>
    %get3A_1155 = vector.shape_cast %get3A_1154 : vector<1x128xf32> to vector<128xf32>
    %reshape3A_1156 = vector.shape_cast %get3A_1155 : vector<128xf32> to vector<1x128xf32>
    %add3A_1157 = vector.broadcast %reshape3A : vector<1024x1xf32> to vector<1024x128xf32>
    %add3A_1158 = vector.broadcast %reshape3A_1156 : vector<1x128xf32> to vector<1024x128xf32>
    %add3A_1159 = arith.addf %add3A_1157, %add3A_1158 : vector<1024x128xf32>
    %sub3A_1160 = arith.subf %add3A_1159, %dot_general3A_1151 : vector<1024x128xf32>
    %max3A_1161 = arith.constant 0.000000e+00 : f32
    %max3A_1162 = vector.broadcast %max3A_1161 : f32 to vector<1024x128xf32>
    %max3A_1163 = arith.maximumf %sub3A_1160, %max3A_1162 : vector<1024x128xf32>
    %sqrt3A_1164 = math.sqrt %max3A_1163 : vector<1024x128xf32>
    %lt3A_1165 = arith.cmpf olt, %sqrt3A_1164, %select_n3A_1143 : vector<1024x128xf32>
    %select_n3A_1166 = arith.select %lt3A_1165, %sqrt3A_1164, %select_n3A_1143 : vector<1024x128xi1>, vector<1024x128xf32>
    %jit3A_1167 = arith.constant 17 : i32
    %broadcast_in_dim3A_1168 = vector.broadcast %jit3A_1167 : i32 to vector<1024x128xi32>
    %select_n3A_1169 = arith.select %lt3A_1165, %broadcast_in_dim3A_1168, %select_n3A_1146 : vector<1024x128xi1>, vector<1024x128xi32>
    %get3A_1170 = arith.constant 0 : index
    %get3A_1171 = arith.constant 6400 : index
    %get3A_1172 = vector.load %arg2[%get3A_1170, %get3A_1171] : memref<32x8192xbf16, #tpu.memory_space<vmem>>, vector<32x128xbf16>
    %dot_general3A_1173 = arith.constant dense<0.000000e+00> : vector<1024x128xf32>
    %dot_general3A_1174 = tpu.matmul %convert_element_type3A, %get3A_1172, %dot_general3A_1173 {dimension_numbers = #tpu.dot_dimension_numbers<[1], [0], [0], [1], [0, 0, 1, 1], [], []>, transpose_lhs_hint = false} : vector<1024x32xbf16>, vector<32x128xbf16>, vector<1024x128xf32> -> vector<1024x128xf32>
    %get3A_1175 = arith.constant 0 : index
    %get3A_1176 = arith.constant 6400 : index
    %get3A_1177 = vector.load %arg4[%get3A_1175, %get3A_1176] : memref<1x8192xf32, #tpu.memory_space<vmem>>, vector<1x128xf32>
    %get3A_1178 = vector.shape_cast %get3A_1177 : vector<1x128xf32> to vector<128xf32>
    %reshape3A_1179 = vector.shape_cast %get3A_1178 : vector<128xf32> to vector<1x128xf32>
    %add3A_1180 = vector.broadcast %reshape3A : vector<1024x1xf32> to vector<1024x128xf32>
    %add3A_1181 = vector.broadcast %reshape3A_1179 : vector<1x128xf32> to vector<1024x128xf32>
    %add3A_1182 = arith.addf %add3A_1180, %add3A_1181 : vector<1024x128xf32>
    %sub3A_1183 = arith.subf %add3A_1182, %dot_general3A_1174 : vector<1024x128xf32>
    %max3A_1184 = arith.constant 0.000000e+00 : f32
    %max3A_1185 = vector.broadcast %max3A_1184 : f32 to vector<1024x128xf32>
    %max3A_1186 = arith.maximumf %sub3A_1183, %max3A_1185 : vector<1024x128xf32>
    %sqrt3A_1187 = math.sqrt %max3A_1186 : vector<1024x128xf32>
    %lt3A_1188 = arith.cmpf olt, %sqrt3A_1187, %select_n3A_1166 : vector<1024x128xf32>
    %select_n3A_1189 = arith.select %lt3A_1188, %sqrt3A_1187, %select_n3A_1166 : vector<1024x128xi1>, vector<1024x128xf32>
    %jit3A_1190 = arith.constant 18 : i32
    %broadcast_in_dim3A_1191 = vector.broadcast %jit3A_1190 : i32 to vector<1024x128xi32>
    %select_n3A_1192 = arith.select %lt3A_1188, %broadcast_in_dim3A_1191, %select_n3A_1169 : vector<1024x128xi1>, vector<1024x128xi32>
    %get3A_1193 = arith.constant 0 : index
    %get3A_1194 = arith.constant 6528 : index
    %get3A_1195 = vector.load %arg2[%get3A_1193, %get3A_1194] : memref<32x8192xbf16, #tpu.memory_space<vmem>>, vector<32x128xbf16>
    %dot_general3A_1196 = arith.constant dense<0.000000e+00> : vector<1024x128xf32>
    %dot_general3A_1197 = tpu.matmul %convert_element_type3A, %get3A_1195, %dot_general3A_1196 {dimension_numbers = #tpu.dot_dimension_numbers<[1], [0], [0], [1], [0, 0, 1, 1], [], []>, transpose_lhs_hint = false} : vector<1024x32xbf16>, vector<32x128xbf16>, vector<1024x128xf32> -> vector<1024x128xf32>
    %get3A_1198 = arith.constant 0 : index
    %get3A_1199 = arith.constant 6528 : index
    %get3A_1200 = vector.load %arg4[%get3A_1198, %get3A_1199] : memref<1x8192xf32, #tpu.memory_space<vmem>>, vector<1x128xf32>
    %get3A_1201 = vector.shape_cast %get3A_1200 : vector<1x128xf32> to vector<128xf32>
    %reshape3A_1202 = vector.shape_cast %get3A_1201 : vector<128xf32> to vector<1x128xf32>
    %add3A_1203 = vector.broadcast %reshape3A : vector<1024x1xf32> to vector<1024x128xf32>
    %add3A_1204 = vector.broadcast %reshape3A_1202 : vector<1x128xf32> to vector<1024x128xf32>
    %add3A_1205 = arith.addf %add3A_1203, %add3A_1204 : vector<1024x128xf32>
    %sub3A_1206 = arith.subf %add3A_1205, %dot_general3A_1197 : vector<1024x128xf32>
    %max3A_1207 = arith.constant 0.000000e+00 : f32
    %max3A_1208 = vector.broadcast %max3A_1207 : f32 to vector<1024x128xf32>
    %max3A_1209 = arith.maximumf %sub3A_1206, %max3A_1208 : vector<1024x128xf32>
    %sqrt3A_1210 = math.sqrt %max3A_1209 : vector<1024x128xf32>
    %lt3A_1211 = arith.cmpf olt, %sqrt3A_1210, %select_n3A_1189 : vector<1024x128xf32>
    %select_n3A_1212 = arith.select %lt3A_1211, %sqrt3A_1210, %select_n3A_1189 : vector<1024x128xi1>, vector<1024x128xf32>
    %jit3A_1213 = arith.constant 19 : i32
    %broadcast_in_dim3A_1214 = vector.broadcast %jit3A_1213 : i32 to vector<1024x128xi32>
    %select_n3A_1215 = arith.select %lt3A_1211, %broadcast_in_dim3A_1214, %select_n3A_1192 : vector<1024x128xi1>, vector<1024x128xi32>
    %get3A_1216 = arith.constant 0 : index
    %get3A_1217 = arith.constant 6656 : index
    %get3A_1218 = vector.load %arg2[%get3A_1216, %get3A_1217] : memref<32x8192xbf16, #tpu.memory_space<vmem>>, vector<32x128xbf16>
    %dot_general3A_1219 = arith.constant dense<0.000000e+00> : vector<1024x128xf32>
    %dot_general3A_1220 = tpu.matmul %convert_element_type3A, %get3A_1218, %dot_general3A_1219 {dimension_numbers = #tpu.dot_dimension_numbers<[1], [0], [0], [1], [0, 0, 1, 1], [], []>, transpose_lhs_hint = false} : vector<1024x32xbf16>, vector<32x128xbf16>, vector<1024x128xf32> -> vector<1024x128xf32>
    %get3A_1221 = arith.constant 0 : index
    %get3A_1222 = arith.constant 6656 : index
    %get3A_1223 = vector.load %arg4[%get3A_1221, %get3A_1222] : memref<1x8192xf32, #tpu.memory_space<vmem>>, vector<1x128xf32>
    %get3A_1224 = vector.shape_cast %get3A_1223 : vector<1x128xf32> to vector<128xf32>
    %reshape3A_1225 = vector.shape_cast %get3A_1224 : vector<128xf32> to vector<1x128xf32>
    %add3A_1226 = vector.broadcast %reshape3A : vector<1024x1xf32> to vector<1024x128xf32>
    %add3A_1227 = vector.broadcast %reshape3A_1225 : vector<1x128xf32> to vector<1024x128xf32>
    %add3A_1228 = arith.addf %add3A_1226, %add3A_1227 : vector<1024x128xf32>
    %sub3A_1229 = arith.subf %add3A_1228, %dot_general3A_1220 : vector<1024x128xf32>
    %max3A_1230 = arith.constant 0.000000e+00 : f32
    %max3A_1231 = vector.broadcast %max3A_1230 : f32 to vector<1024x128xf32>
    %max3A_1232 = arith.maximumf %sub3A_1229, %max3A_1231 : vector<1024x128xf32>
    %sqrt3A_1233 = math.sqrt %max3A_1232 : vector<1024x128xf32>
    %lt3A_1234 = arith.cmpf olt, %sqrt3A_1233, %select_n3A_1212 : vector<1024x128xf32>
    %select_n3A_1235 = arith.select %lt3A_1234, %sqrt3A_1233, %select_n3A_1212 : vector<1024x128xi1>, vector<1024x128xf32>
    %jit3A_1236 = arith.constant 20 : i32
    %broadcast_in_dim3A_1237 = vector.broadcast %jit3A_1236 : i32 to vector<1024x128xi32>
    %select_n3A_1238 = arith.select %lt3A_1234, %broadcast_in_dim3A_1237, %select_n3A_1215 : vector<1024x128xi1>, vector<1024x128xi32>
    %get3A_1239 = arith.constant 0 : index
    %get3A_1240 = arith.constant 6784 : index
    %get3A_1241 = vector.load %arg2[%get3A_1239, %get3A_1240] : memref<32x8192xbf16, #tpu.memory_space<vmem>>, vector<32x128xbf16>
    %dot_general3A_1242 = arith.constant dense<0.000000e+00> : vector<1024x128xf32>
    %dot_general3A_1243 = tpu.matmul %convert_element_type3A, %get3A_1241, %dot_general3A_1242 {dimension_numbers = #tpu.dot_dimension_numbers<[1], [0], [0], [1], [0, 0, 1, 1], [], []>, transpose_lhs_hint = false} : vector<1024x32xbf16>, vector<32x128xbf16>, vector<1024x128xf32> -> vector<1024x128xf32>
    %get3A_1244 = arith.constant 0 : index
    %get3A_1245 = arith.constant 6784 : index
    %get3A_1246 = vector.load %arg4[%get3A_1244, %get3A_1245] : memref<1x8192xf32, #tpu.memory_space<vmem>>, vector<1x128xf32>
    %get3A_1247 = vector.shape_cast %get3A_1246 : vector<1x128xf32> to vector<128xf32>
    %reshape3A_1248 = vector.shape_cast %get3A_1247 : vector<128xf32> to vector<1x128xf32>
    %add3A_1249 = vector.broadcast %reshape3A : vector<1024x1xf32> to vector<1024x128xf32>
    %add3A_1250 = vector.broadcast %reshape3A_1248 : vector<1x128xf32> to vector<1024x128xf32>
    %add3A_1251 = arith.addf %add3A_1249, %add3A_1250 : vector<1024x128xf32>
    %sub3A_1252 = arith.subf %add3A_1251, %dot_general3A_1243 : vector<1024x128xf32>
    %max3A_1253 = arith.constant 0.000000e+00 : f32
    %max3A_1254 = vector.broadcast %max3A_1253 : f32 to vector<1024x128xf32>
    %max3A_1255 = arith.maximumf %sub3A_1252, %max3A_1254 : vector<1024x128xf32>
    %sqrt3A_1256 = math.sqrt %max3A_1255 : vector<1024x128xf32>
    %lt3A_1257 = arith.cmpf olt, %sqrt3A_1256, %select_n3A_1235 : vector<1024x128xf32>
    %select_n3A_1258 = arith.select %lt3A_1257, %sqrt3A_1256, %select_n3A_1235 : vector<1024x128xi1>, vector<1024x128xf32>
    %jit3A_1259 = arith.constant 21 : i32
    %broadcast_in_dim3A_1260 = vector.broadcast %jit3A_1259 : i32 to vector<1024x128xi32>
    %select_n3A_1261 = arith.select %lt3A_1257, %broadcast_in_dim3A_1260, %select_n3A_1238 : vector<1024x128xi1>, vector<1024x128xi32>
    %get3A_1262 = arith.constant 0 : index
    %get3A_1263 = arith.constant 6912 : index
    %get3A_1264 = vector.load %arg2[%get3A_1262, %get3A_1263] : memref<32x8192xbf16, #tpu.memory_space<vmem>>, vector<32x128xbf16>
    %dot_general3A_1265 = arith.constant dense<0.000000e+00> : vector<1024x128xf32>
    %dot_general3A_1266 = tpu.matmul %convert_element_type3A, %get3A_1264, %dot_general3A_1265 {dimension_numbers = #tpu.dot_dimension_numbers<[1], [0], [0], [1], [0, 0, 1, 1], [], []>, transpose_lhs_hint = false} : vector<1024x32xbf16>, vector<32x128xbf16>, vector<1024x128xf32> -> vector<1024x128xf32>
    %get3A_1267 = arith.constant 0 : index
    %get3A_1268 = arith.constant 6912 : index
    %get3A_1269 = vector.load %arg4[%get3A_1267, %get3A_1268] : memref<1x8192xf32, #tpu.memory_space<vmem>>, vector<1x128xf32>
    %get3A_1270 = vector.shape_cast %get3A_1269 : vector<1x128xf32> to vector<128xf32>
    %reshape3A_1271 = vector.shape_cast %get3A_1270 : vector<128xf32> to vector<1x128xf32>
    %add3A_1272 = vector.broadcast %reshape3A : vector<1024x1xf32> to vector<1024x128xf32>
    %add3A_1273 = vector.broadcast %reshape3A_1271 : vector<1x128xf32> to vector<1024x128xf32>
    %add3A_1274 = arith.addf %add3A_1272, %add3A_1273 : vector<1024x128xf32>
    %sub3A_1275 = arith.subf %add3A_1274, %dot_general3A_1266 : vector<1024x128xf32>
    %max3A_1276 = arith.constant 0.000000e+00 : f32
    %max3A_1277 = vector.broadcast %max3A_1276 : f32 to vector<1024x128xf32>
    %max3A_1278 = arith.maximumf %sub3A_1275, %max3A_1277 : vector<1024x128xf32>
    %sqrt3A_1279 = math.sqrt %max3A_1278 : vector<1024x128xf32>
    %lt3A_1280 = arith.cmpf olt, %sqrt3A_1279, %select_n3A_1258 : vector<1024x128xf32>
    %select_n3A_1281 = arith.select %lt3A_1280, %sqrt3A_1279, %select_n3A_1258 : vector<1024x128xi1>, vector<1024x128xf32>
    %jit3A_1282 = arith.constant 22 : i32
    %broadcast_in_dim3A_1283 = vector.broadcast %jit3A_1282 : i32 to vector<1024x128xi32>
    %select_n3A_1284 = arith.select %lt3A_1280, %broadcast_in_dim3A_1283, %select_n3A_1261 : vector<1024x128xi1>, vector<1024x128xi32>
    %get3A_1285 = arith.constant 0 : index
    %get3A_1286 = arith.constant 7040 : index
    %get3A_1287 = vector.load %arg2[%get3A_1285, %get3A_1286] : memref<32x8192xbf16, #tpu.memory_space<vmem>>, vector<32x128xbf16>
    %dot_general3A_1288 = arith.constant dense<0.000000e+00> : vector<1024x128xf32>
    %dot_general3A_1289 = tpu.matmul %convert_element_type3A, %get3A_1287, %dot_general3A_1288 {dimension_numbers = #tpu.dot_dimension_numbers<[1], [0], [0], [1], [0, 0, 1, 1], [], []>, transpose_lhs_hint = false} : vector<1024x32xbf16>, vector<32x128xbf16>, vector<1024x128xf32> -> vector<1024x128xf32>
    %get3A_1290 = arith.constant 0 : index
    %get3A_1291 = arith.constant 7040 : index
    %get3A_1292 = vector.load %arg4[%get3A_1290, %get3A_1291] : memref<1x8192xf32, #tpu.memory_space<vmem>>, vector<1x128xf32>
    %get3A_1293 = vector.shape_cast %get3A_1292 : vector<1x128xf32> to vector<128xf32>
    %reshape3A_1294 = vector.shape_cast %get3A_1293 : vector<128xf32> to vector<1x128xf32>
    %add3A_1295 = vector.broadcast %reshape3A : vector<1024x1xf32> to vector<1024x128xf32>
    %add3A_1296 = vector.broadcast %reshape3A_1294 : vector<1x128xf32> to vector<1024x128xf32>
    %add3A_1297 = arith.addf %add3A_1295, %add3A_1296 : vector<1024x128xf32>
    %sub3A_1298 = arith.subf %add3A_1297, %dot_general3A_1289 : vector<1024x128xf32>
    %max3A_1299 = arith.constant 0.000000e+00 : f32
    %max3A_1300 = vector.broadcast %max3A_1299 : f32 to vector<1024x128xf32>
    %max3A_1301 = arith.maximumf %sub3A_1298, %max3A_1300 : vector<1024x128xf32>
    %sqrt3A_1302 = math.sqrt %max3A_1301 : vector<1024x128xf32>
    %lt3A_1303 = arith.cmpf olt, %sqrt3A_1302, %select_n3A_1281 : vector<1024x128xf32>
    %select_n3A_1304 = arith.select %lt3A_1303, %sqrt3A_1302, %select_n3A_1281 : vector<1024x128xi1>, vector<1024x128xf32>
    %jit3A_1305 = arith.constant 23 : i32
    %broadcast_in_dim3A_1306 = vector.broadcast %jit3A_1305 : i32 to vector<1024x128xi32>
    %select_n3A_1307 = arith.select %lt3A_1303, %broadcast_in_dim3A_1306, %select_n3A_1284 : vector<1024x128xi1>, vector<1024x128xi32>
    %get3A_1308 = arith.constant 0 : index
    %get3A_1309 = arith.constant 7168 : index
    %get3A_1310 = vector.load %arg2[%get3A_1308, %get3A_1309] : memref<32x8192xbf16, #tpu.memory_space<vmem>>, vector<32x128xbf16>
    %dot_general3A_1311 = arith.constant dense<0.000000e+00> : vector<1024x128xf32>
    %dot_general3A_1312 = tpu.matmul %convert_element_type3A, %get3A_1310, %dot_general3A_1311 {dimension_numbers = #tpu.dot_dimension_numbers<[1], [0], [0], [1], [0, 0, 1, 1], [], []>, transpose_lhs_hint = false} : vector<1024x32xbf16>, vector<32x128xbf16>, vector<1024x128xf32> -> vector<1024x128xf32>
    %get3A_1313 = arith.constant 0 : index
    %get3A_1314 = arith.constant 7168 : index
    %get3A_1315 = vector.load %arg4[%get3A_1313, %get3A_1314] : memref<1x8192xf32, #tpu.memory_space<vmem>>, vector<1x128xf32>
    %get3A_1316 = vector.shape_cast %get3A_1315 : vector<1x128xf32> to vector<128xf32>
    %reshape3A_1317 = vector.shape_cast %get3A_1316 : vector<128xf32> to vector<1x128xf32>
    %add3A_1318 = vector.broadcast %reshape3A : vector<1024x1xf32> to vector<1024x128xf32>
    %add3A_1319 = vector.broadcast %reshape3A_1317 : vector<1x128xf32> to vector<1024x128xf32>
    %add3A_1320 = arith.addf %add3A_1318, %add3A_1319 : vector<1024x128xf32>
    %sub3A_1321 = arith.subf %add3A_1320, %dot_general3A_1312 : vector<1024x128xf32>
    %max3A_1322 = arith.constant 0.000000e+00 : f32
    %max3A_1323 = vector.broadcast %max3A_1322 : f32 to vector<1024x128xf32>
    %max3A_1324 = arith.maximumf %sub3A_1321, %max3A_1323 : vector<1024x128xf32>
    %sqrt3A_1325 = math.sqrt %max3A_1324 : vector<1024x128xf32>
    %lt3A_1326 = arith.cmpf olt, %sqrt3A_1325, %select_n3A_1304 : vector<1024x128xf32>
    %select_n3A_1327 = arith.select %lt3A_1326, %sqrt3A_1325, %select_n3A_1304 : vector<1024x128xi1>, vector<1024x128xf32>
    %jit3A_1328 = arith.constant 24 : i32
    %broadcast_in_dim3A_1329 = vector.broadcast %jit3A_1328 : i32 to vector<1024x128xi32>
    %select_n3A_1330 = arith.select %lt3A_1326, %broadcast_in_dim3A_1329, %select_n3A_1307 : vector<1024x128xi1>, vector<1024x128xi32>
    %get3A_1331 = arith.constant 0 : index
    %get3A_1332 = arith.constant 7296 : index
    %get3A_1333 = vector.load %arg2[%get3A_1331, %get3A_1332] : memref<32x8192xbf16, #tpu.memory_space<vmem>>, vector<32x128xbf16>
    %dot_general3A_1334 = arith.constant dense<0.000000e+00> : vector<1024x128xf32>
    %dot_general3A_1335 = tpu.matmul %convert_element_type3A, %get3A_1333, %dot_general3A_1334 {dimension_numbers = #tpu.dot_dimension_numbers<[1], [0], [0], [1], [0, 0, 1, 1], [], []>, transpose_lhs_hint = false} : vector<1024x32xbf16>, vector<32x128xbf16>, vector<1024x128xf32> -> vector<1024x128xf32>
    %get3A_1336 = arith.constant 0 : index
    %get3A_1337 = arith.constant 7296 : index
    %get3A_1338 = vector.load %arg4[%get3A_1336, %get3A_1337] : memref<1x8192xf32, #tpu.memory_space<vmem>>, vector<1x128xf32>
    %get3A_1339 = vector.shape_cast %get3A_1338 : vector<1x128xf32> to vector<128xf32>
    %reshape3A_1340 = vector.shape_cast %get3A_1339 : vector<128xf32> to vector<1x128xf32>
    %add3A_1341 = vector.broadcast %reshape3A : vector<1024x1xf32> to vector<1024x128xf32>
    %add3A_1342 = vector.broadcast %reshape3A_1340 : vector<1x128xf32> to vector<1024x128xf32>
    %add3A_1343 = arith.addf %add3A_1341, %add3A_1342 : vector<1024x128xf32>
    %sub3A_1344 = arith.subf %add3A_1343, %dot_general3A_1335 : vector<1024x128xf32>
    %max3A_1345 = arith.constant 0.000000e+00 : f32
    %max3A_1346 = vector.broadcast %max3A_1345 : f32 to vector<1024x128xf32>
    %max3A_1347 = arith.maximumf %sub3A_1344, %max3A_1346 : vector<1024x128xf32>
    %sqrt3A_1348 = math.sqrt %max3A_1347 : vector<1024x128xf32>
    %lt3A_1349 = arith.cmpf olt, %sqrt3A_1348, %select_n3A_1327 : vector<1024x128xf32>
    %select_n3A_1350 = arith.select %lt3A_1349, %sqrt3A_1348, %select_n3A_1327 : vector<1024x128xi1>, vector<1024x128xf32>
    %jit3A_1351 = arith.constant 25 : i32
    %broadcast_in_dim3A_1352 = vector.broadcast %jit3A_1351 : i32 to vector<1024x128xi32>
    %select_n3A_1353 = arith.select %lt3A_1349, %broadcast_in_dim3A_1352, %select_n3A_1330 : vector<1024x128xi1>, vector<1024x128xi32>
    %get3A_1354 = arith.constant 0 : index
    %get3A_1355 = arith.constant 7424 : index
    %get3A_1356 = vector.load %arg2[%get3A_1354, %get3A_1355] : memref<32x8192xbf16, #tpu.memory_space<vmem>>, vector<32x128xbf16>
    %dot_general3A_1357 = arith.constant dense<0.000000e+00> : vector<1024x128xf32>
    %dot_general3A_1358 = tpu.matmul %convert_element_type3A, %get3A_1356, %dot_general3A_1357 {dimension_numbers = #tpu.dot_dimension_numbers<[1], [0], [0], [1], [0, 0, 1, 1], [], []>, transpose_lhs_hint = false} : vector<1024x32xbf16>, vector<32x128xbf16>, vector<1024x128xf32> -> vector<1024x128xf32>
    %get3A_1359 = arith.constant 0 : index
    %get3A_1360 = arith.constant 7424 : index
    %get3A_1361 = vector.load %arg4[%get3A_1359, %get3A_1360] : memref<1x8192xf32, #tpu.memory_space<vmem>>, vector<1x128xf32>
    %get3A_1362 = vector.shape_cast %get3A_1361 : vector<1x128xf32> to vector<128xf32>
    %reshape3A_1363 = vector.shape_cast %get3A_1362 : vector<128xf32> to vector<1x128xf32>
    %add3A_1364 = vector.broadcast %reshape3A : vector<1024x1xf32> to vector<1024x128xf32>
    %add3A_1365 = vector.broadcast %reshape3A_1363 : vector<1x128xf32> to vector<1024x128xf32>
    %add3A_1366 = arith.addf %add3A_1364, %add3A_1365 : vector<1024x128xf32>
    %sub3A_1367 = arith.subf %add3A_1366, %dot_general3A_1358 : vector<1024x128xf32>
    %max3A_1368 = arith.constant 0.000000e+00 : f32
    %max3A_1369 = vector.broadcast %max3A_1368 : f32 to vector<1024x128xf32>
    %max3A_1370 = arith.maximumf %sub3A_1367, %max3A_1369 : vector<1024x128xf32>
    %sqrt3A_1371 = math.sqrt %max3A_1370 : vector<1024x128xf32>
    %lt3A_1372 = arith.cmpf olt, %sqrt3A_1371, %select_n3A_1350 : vector<1024x128xf32>
    %select_n3A_1373 = arith.select %lt3A_1372, %sqrt3A_1371, %select_n3A_1350 : vector<1024x128xi1>, vector<1024x128xf32>
    %jit3A_1374 = arith.constant 26 : i32
    %broadcast_in_dim3A_1375 = vector.broadcast %jit3A_1374 : i32 to vector<1024x128xi32>
    %select_n3A_1376 = arith.select %lt3A_1372, %broadcast_in_dim3A_1375, %select_n3A_1353 : vector<1024x128xi1>, vector<1024x128xi32>
    %get3A_1377 = arith.constant 0 : index
    %get3A_1378 = arith.constant 7552 : index
    %get3A_1379 = vector.load %arg2[%get3A_1377, %get3A_1378] : memref<32x8192xbf16, #tpu.memory_space<vmem>>, vector<32x128xbf16>
    %dot_general3A_1380 = arith.constant dense<0.000000e+00> : vector<1024x128xf32>
    %dot_general3A_1381 = tpu.matmul %convert_element_type3A, %get3A_1379, %dot_general3A_1380 {dimension_numbers = #tpu.dot_dimension_numbers<[1], [0], [0], [1], [0, 0, 1, 1], [], []>, transpose_lhs_hint = false} : vector<1024x32xbf16>, vector<32x128xbf16>, vector<1024x128xf32> -> vector<1024x128xf32>
    %get3A_1382 = arith.constant 0 : index
    %get3A_1383 = arith.constant 7552 : index
    %get3A_1384 = vector.load %arg4[%get3A_1382, %get3A_1383] : memref<1x8192xf32, #tpu.memory_space<vmem>>, vector<1x128xf32>
    %get3A_1385 = vector.shape_cast %get3A_1384 : vector<1x128xf32> to vector<128xf32>
    %reshape3A_1386 = vector.shape_cast %get3A_1385 : vector<128xf32> to vector<1x128xf32>
    %add3A_1387 = vector.broadcast %reshape3A : vector<1024x1xf32> to vector<1024x128xf32>
    %add3A_1388 = vector.broadcast %reshape3A_1386 : vector<1x128xf32> to vector<1024x128xf32>
    %add3A_1389 = arith.addf %add3A_1387, %add3A_1388 : vector<1024x128xf32>
    %sub3A_1390 = arith.subf %add3A_1389, %dot_general3A_1381 : vector<1024x128xf32>
    %max3A_1391 = arith.constant 0.000000e+00 : f32
    %max3A_1392 = vector.broadcast %max3A_1391 : f32 to vector<1024x128xf32>
    %max3A_1393 = arith.maximumf %sub3A_1390, %max3A_1392 : vector<1024x128xf32>
    %sqrt3A_1394 = math.sqrt %max3A_1393 : vector<1024x128xf32>
    %lt3A_1395 = arith.cmpf olt, %sqrt3A_1394, %select_n3A_1373 : vector<1024x128xf32>
    %select_n3A_1396 = arith.select %lt3A_1395, %sqrt3A_1394, %select_n3A_1373 : vector<1024x128xi1>, vector<1024x128xf32>
    %jit3A_1397 = arith.constant 27 : i32
    %broadcast_in_dim3A_1398 = vector.broadcast %jit3A_1397 : i32 to vector<1024x128xi32>
    %select_n3A_1399 = arith.select %lt3A_1395, %broadcast_in_dim3A_1398, %select_n3A_1376 : vector<1024x128xi1>, vector<1024x128xi32>
    %get3A_1400 = arith.constant 0 : index
    %get3A_1401 = arith.constant 7680 : index
    %get3A_1402 = vector.load %arg2[%get3A_1400, %get3A_1401] : memref<32x8192xbf16, #tpu.memory_space<vmem>>, vector<32x128xbf16>
    %dot_general3A_1403 = arith.constant dense<0.000000e+00> : vector<1024x128xf32>
    %dot_general3A_1404 = tpu.matmul %convert_element_type3A, %get3A_1402, %dot_general3A_1403 {dimension_numbers = #tpu.dot_dimension_numbers<[1], [0], [0], [1], [0, 0, 1, 1], [], []>, transpose_lhs_hint = false} : vector<1024x32xbf16>, vector<32x128xbf16>, vector<1024x128xf32> -> vector<1024x128xf32>
    %get3A_1405 = arith.constant 0 : index
    %get3A_1406 = arith.constant 7680 : index
    %get3A_1407 = vector.load %arg4[%get3A_1405, %get3A_1406] : memref<1x8192xf32, #tpu.memory_space<vmem>>, vector<1x128xf32>
    %get3A_1408 = vector.shape_cast %get3A_1407 : vector<1x128xf32> to vector<128xf32>
    %reshape3A_1409 = vector.shape_cast %get3A_1408 : vector<128xf32> to vector<1x128xf32>
    %add3A_1410 = vector.broadcast %reshape3A : vector<1024x1xf32> to vector<1024x128xf32>
    %add3A_1411 = vector.broadcast %reshape3A_1409 : vector<1x128xf32> to vector<1024x128xf32>
    %add3A_1412 = arith.addf %add3A_1410, %add3A_1411 : vector<1024x128xf32>
    %sub3A_1413 = arith.subf %add3A_1412, %dot_general3A_1404 : vector<1024x128xf32>
    %max3A_1414 = arith.constant 0.000000e+00 : f32
    %max3A_1415 = vector.broadcast %max3A_1414 : f32 to vector<1024x128xf32>
    %max3A_1416 = arith.maximumf %sub3A_1413, %max3A_1415 : vector<1024x128xf32>
    %sqrt3A_1417 = math.sqrt %max3A_1416 : vector<1024x128xf32>
    %lt3A_1418 = arith.cmpf olt, %sqrt3A_1417, %select_n3A_1396 : vector<1024x128xf32>
    %select_n3A_1419 = arith.select %lt3A_1418, %sqrt3A_1417, %select_n3A_1396 : vector<1024x128xi1>, vector<1024x128xf32>
    %jit3A_1420 = arith.constant 28 : i32
    %broadcast_in_dim3A_1421 = vector.broadcast %jit3A_1420 : i32 to vector<1024x128xi32>
    %select_n3A_1422 = arith.select %lt3A_1418, %broadcast_in_dim3A_1421, %select_n3A_1399 : vector<1024x128xi1>, vector<1024x128xi32>
    %get3A_1423 = arith.constant 0 : index
    %get3A_1424 = arith.constant 7808 : index
    %get3A_1425 = vector.load %arg2[%get3A_1423, %get3A_1424] : memref<32x8192xbf16, #tpu.memory_space<vmem>>, vector<32x128xbf16>
    %dot_general3A_1426 = arith.constant dense<0.000000e+00> : vector<1024x128xf32>
    %dot_general3A_1427 = tpu.matmul %convert_element_type3A, %get3A_1425, %dot_general3A_1426 {dimension_numbers = #tpu.dot_dimension_numbers<[1], [0], [0], [1], [0, 0, 1, 1], [], []>, transpose_lhs_hint = false} : vector<1024x32xbf16>, vector<32x128xbf16>, vector<1024x128xf32> -> vector<1024x128xf32>
    %get3A_1428 = arith.constant 0 : index
    %get3A_1429 = arith.constant 7808 : index
    %get3A_1430 = vector.load %arg4[%get3A_1428, %get3A_1429] : memref<1x8192xf32, #tpu.memory_space<vmem>>, vector<1x128xf32>
    %get3A_1431 = vector.shape_cast %get3A_1430 : vector<1x128xf32> to vector<128xf32>
    %reshape3A_1432 = vector.shape_cast %get3A_1431 : vector<128xf32> to vector<1x128xf32>
    %add3A_1433 = vector.broadcast %reshape3A : vector<1024x1xf32> to vector<1024x128xf32>
    %add3A_1434 = vector.broadcast %reshape3A_1432 : vector<1x128xf32> to vector<1024x128xf32>
    %add3A_1435 = arith.addf %add3A_1433, %add3A_1434 : vector<1024x128xf32>
    %sub3A_1436 = arith.subf %add3A_1435, %dot_general3A_1427 : vector<1024x128xf32>
    %max3A_1437 = arith.constant 0.000000e+00 : f32
    %max3A_1438 = vector.broadcast %max3A_1437 : f32 to vector<1024x128xf32>
    %max3A_1439 = arith.maximumf %sub3A_1436, %max3A_1438 : vector<1024x128xf32>
    %sqrt3A_1440 = math.sqrt %max3A_1439 : vector<1024x128xf32>
    %lt3A_1441 = arith.cmpf olt, %sqrt3A_1440, %select_n3A_1419 : vector<1024x128xf32>
    %select_n3A_1442 = arith.select %lt3A_1441, %sqrt3A_1440, %select_n3A_1419 : vector<1024x128xi1>, vector<1024x128xf32>
    %jit3A_1443 = arith.constant 29 : i32
    %broadcast_in_dim3A_1444 = vector.broadcast %jit3A_1443 : i32 to vector<1024x128xi32>
    %select_n3A_1445 = arith.select %lt3A_1441, %broadcast_in_dim3A_1444, %select_n3A_1422 : vector<1024x128xi1>, vector<1024x128xi32>
    %get3A_1446 = arith.constant 0 : index
    %get3A_1447 = arith.constant 7936 : index
    %get3A_1448 = vector.load %arg2[%get3A_1446, %get3A_1447] : memref<32x8192xbf16, #tpu.memory_space<vmem>>, vector<32x128xbf16>
    %dot_general3A_1449 = arith.constant dense<0.000000e+00> : vector<1024x128xf32>
    %dot_general3A_1450 = tpu.matmul %convert_element_type3A, %get3A_1448, %dot_general3A_1449 {dimension_numbers = #tpu.dot_dimension_numbers<[1], [0], [0], [1], [0, 0, 1, 1], [], []>, transpose_lhs_hint = false} : vector<1024x32xbf16>, vector<32x128xbf16>, vector<1024x128xf32> -> vector<1024x128xf32>
    %get3A_1451 = arith.constant 0 : index
    %get3A_1452 = arith.constant 7936 : index
    %get3A_1453 = vector.load %arg4[%get3A_1451, %get3A_1452] : memref<1x8192xf32, #tpu.memory_space<vmem>>, vector<1x128xf32>
    %get3A_1454 = vector.shape_cast %get3A_1453 : vector<1x128xf32> to vector<128xf32>
    %reshape3A_1455 = vector.shape_cast %get3A_1454 : vector<128xf32> to vector<1x128xf32>
    %add3A_1456 = vector.broadcast %reshape3A : vector<1024x1xf32> to vector<1024x128xf32>
    %add3A_1457 = vector.broadcast %reshape3A_1455 : vector<1x128xf32> to vector<1024x128xf32>
    %add3A_1458 = arith.addf %add3A_1456, %add3A_1457 : vector<1024x128xf32>
    %sub3A_1459 = arith.subf %add3A_1458, %dot_general3A_1450 : vector<1024x128xf32>
    %max3A_1460 = arith.constant 0.000000e+00 : f32
    %max3A_1461 = vector.broadcast %max3A_1460 : f32 to vector<1024x128xf32>
    %max3A_1462 = arith.maximumf %sub3A_1459, %max3A_1461 : vector<1024x128xf32>
    %sqrt3A_1463 = math.sqrt %max3A_1462 : vector<1024x128xf32>
    %lt3A_1464 = arith.cmpf olt, %sqrt3A_1463, %select_n3A_1442 : vector<1024x128xf32>
    %select_n3A_1465 = arith.select %lt3A_1464, %sqrt3A_1463, %select_n3A_1442 : vector<1024x128xi1>, vector<1024x128xf32>
    %jit3A_1466 = arith.constant 30 : i32
    %broadcast_in_dim3A_1467 = vector.broadcast %jit3A_1466 : i32 to vector<1024x128xi32>
    %select_n3A_1468 = arith.select %lt3A_1464, %broadcast_in_dim3A_1467, %select_n3A_1445 : vector<1024x128xi1>, vector<1024x128xi32>
    %get3A_1469 = arith.constant 0 : index
    %get3A_1470 = arith.constant 8064 : index
    %get3A_1471 = vector.load %arg2[%get3A_1469, %get3A_1470] : memref<32x8192xbf16, #tpu.memory_space<vmem>>, vector<32x128xbf16>
    %dot_general3A_1472 = arith.constant dense<0.000000e+00> : vector<1024x128xf32>
    %dot_general3A_1473 = tpu.matmul %convert_element_type3A, %get3A_1471, %dot_general3A_1472 {dimension_numbers = #tpu.dot_dimension_numbers<[1], [0], [0], [1], [0, 0, 1, 1], [], []>, transpose_lhs_hint = false} : vector<1024x32xbf16>, vector<32x128xbf16>, vector<1024x128xf32> -> vector<1024x128xf32>
    %get3A_1474 = arith.constant 0 : index
    %get3A_1475 = arith.constant 8064 : index
    %get3A_1476 = vector.load %arg4[%get3A_1474, %get3A_1475] : memref<1x8192xf32, #tpu.memory_space<vmem>>, vector<1x128xf32>
    %get3A_1477 = vector.shape_cast %get3A_1476 : vector<1x128xf32> to vector<128xf32>
    %reshape3A_1478 = vector.shape_cast %get3A_1477 : vector<128xf32> to vector<1x128xf32>
    %add3A_1479 = vector.broadcast %reshape3A : vector<1024x1xf32> to vector<1024x128xf32>
    %add3A_1480 = vector.broadcast %reshape3A_1478 : vector<1x128xf32> to vector<1024x128xf32>
    %add3A_1481 = arith.addf %add3A_1479, %add3A_1480 : vector<1024x128xf32>
    %sub3A_1482 = arith.subf %add3A_1481, %dot_general3A_1473 : vector<1024x128xf32>
    %max3A_1483 = arith.constant 0.000000e+00 : f32
    %max3A_1484 = vector.broadcast %max3A_1483 : f32 to vector<1024x128xf32>
    %max3A_1485 = arith.maximumf %sub3A_1482, %max3A_1484 : vector<1024x128xf32>
    %sqrt3A_1486 = math.sqrt %max3A_1485 : vector<1024x128xf32>
    %lt3A_1487 = arith.cmpf olt, %sqrt3A_1486, %select_n3A_1465 : vector<1024x128xf32>
    %select_n3A_1488 = arith.select %lt3A_1487, %sqrt3A_1486, %select_n3A_1465 : vector<1024x128xi1>, vector<1024x128xf32>
    %jit3A_1489 = arith.constant 31 : i32
    %broadcast_in_dim3A_1490 = vector.broadcast %jit3A_1489 : i32 to vector<1024x128xi32>
    %select_n3A_1491 = arith.select %lt3A_1487, %broadcast_in_dim3A_1490, %select_n3A_1468 : vector<1024x128xi1>, vector<1024x128xi32>
    %mul3A_1492 = arith.constant 128 : i32
    %mul3A_1493 = vector.broadcast %mul3A_1492 : i32 to vector<1024x128xi32>
    %mul3A_1494 = arith.muli %select_n3A_1491, %mul3A_1493 : vector<1024x128xi32>
    %iota3A_1495 = tpu.iota {dimensions = array<i32: 1>} : vector<1024x128xi32>
    %add3A_1496 = arith.addi %mul3A_1494, %iota3A_1495 : vector<1024x128xi32>
    %add3A_1497 = arith.constant 4096 : i32
    %add3A_1498 = vector.broadcast %add3A_1497 : i32 to vector<1024x128xi32>
    %add3A_1499 = arith.addi %add3A_1496, %add3A_1498 : vector<1024x128xi32>
    %reduce_min3A_1500 = arith.constant dense<0x7F800000> : vector<1024xf32>
    %reduce_min3A_1501 = vector.multi_reduction <minimumf>, %select_n3A_1488, %reduce_min3A_1500 [1] : vector<1024x128xf32> to vector<1024xf32>
    %broadcast_in_dim3A_1502 = vector.shape_cast %reduce_min3A_1501 : vector<1024xf32> to vector<1024x1xf32>
    %eq3A_1503 = vector.broadcast %broadcast_in_dim3A_1502 : vector<1024x1xf32> to vector<1024x128xf32>
    %eq3A_1504 = arith.cmpf oeq, %select_n3A_1488, %eq3A_1503 : vector<1024x128xf32>
    %jit3A_1505 = arith.constant 8192 : i32
    %broadcast_in_dim3A_1506 = vector.broadcast %jit3A_1505 : i32 to vector<1024x128xi32>
    %select_n3A_1507 = arith.select %eq3A_1504, %add3A_1499, %broadcast_in_dim3A_1506 : vector<1024x128xi1>, vector<1024x128xi32>
    %reduce_min3A_1508 = arith.constant dense<2147483647> : vector<1024xi32>
    %reduce_min3A_1509 = vector.multi_reduction <minsi>, %select_n3A_1507, %reduce_min3A_1508 [1] : vector<1024x128xi32> to vector<1024xi32>
    %broadcast_in_dim3A_1510 = vector.shape_cast %reduce_min3A_1509 : vector<1024xi32> to vector<1024x1xi32>
    %bitcast_convert_type3A = tpu.bitcast %broadcast_in_dim3A_744 : vector<1024x1xf32> -> vector<1024x1xi32>
    %add3A_1511 = arith.constant 32767 : i32
    %add3A_1512 = vector.broadcast %add3A_1511 : i32 to vector<1024x1xi32>
    %add3A_1513 = arith.addi %bitcast_convert_type3A, %add3A_1512 : vector<1024x1xi32>
    %shift_right_logical3A = arith.constant 16 : i32
    %shift_right_logical3A_1514 = vector.broadcast %shift_right_logical3A : i32 to vector<1024x1xi32>
    %shift_right_logical3A_1515 = arith.shrui %bitcast_convert_type3A, %shift_right_logical3A_1514 : vector<1024x1xi32>
    %and3A = arith.constant 1 : i32
    %and3A_1516 = vector.broadcast %and3A : i32 to vector<1024x1xi32>
    %and3A_1517 = arith.andi %shift_right_logical3A_1515, %and3A_1516 : vector<1024x1xi32>
    %add3A_1518 = arith.addi %add3A_1513, %and3A_1517 : vector<1024x1xi32>
    %and3A_1519 = arith.constant -65536 : i32
    %and3A_1520 = vector.broadcast %and3A_1519 : i32 to vector<1024x1xi32>
    %and3A_1521 = arith.andi %add3A_1518, %and3A_1520 : vector<1024x1xi32>
    %bitcast_convert_type3A_1522 = tpu.bitcast %and3A_1521 : vector<1024x1xi32> -> vector<1024x1xf32>
    %lt3A_1523 = arith.cmpf olt, %broadcast_in_dim3A_1502, %bitcast_convert_type3A_1522 : vector<1024x1xf32>
    %select_n3A_1524 = arith.select %lt3A_1523, %broadcast_in_dim3A_1510, %broadcast_in_dim3A_751 : vector<1024x1xi1>, vector<1024x1xi32>
    %reshape3A_1525 = vector.shape_cast %select_n3A_1524 : vector<1024x1xi32> to vector<1x1x1024xi32>
    %swap3A = arith.constant 0 : index
    %swap3A_1526 = arith.constant 0 : index
    %swap3A_1527 = arith.constant 0 : index
    %swap3A_1528 = vector.load %arg5[%swap3A, %swap3A_1526, %swap3A_1527] : memref<1x1x1024xi32, #tpu.memory_space<vmem>>, vector<1x1x1024xi32>
    tpu.vector_store %arg5[%swap3A, %swap3A_1526, %swap3A_1527], %reshape3A_1525 {strides = array<i32>} : memref<1x1x1024xi32, #tpu.memory_space<vmem>>, vector<1x1x1024xi32>,
    return
  }
  func.func @transform_0(%arg0: i32) -> (i32, i32) {
    %c0_i32 = arith.constant 0 : i32
    %c0_i32_0 = arith.constant 0 : i32
    return %arg0, %c0_i32 : i32, i32
  }
  func.func @transform_1(%arg0: i32) -> (i32, i32) {
    %c0_i32 = arith.constant 0 : i32
    %c0_i32_0 = arith.constant 0 : i32
    %c0_i32_1 = arith.constant 0 : i32
    return %c0_i32, %c0_i32_0 : i32, i32
  }
  func.func @transform_2(%arg0: i32) -> (i32, i32) {
    %c0_i32 = arith.constant 0 : i32
    %c0_i32_0 = arith.constant 0 : i32
    return %c0_i32, %arg0 : i32, i32
  }
  func.func @transform_3(%arg0: i32) -> (i32, i32) {
    %c0_i32 = arith.constant 0 : i32
    %c0_i32_0 = arith.constant 0 : i32
    %c0_i32_1 = arith.constant 0 : i32
    return %c0_i32, %c0_i32_0 : i32, i32
  }
  func.func @transform_4(%arg0: i32) -> (i32, i32, i32) {
    %c0_i32 = arith.constant 0 : i32
    %c0_i32_0 = arith.constant 0 : i32
    %c0_i32_1 = arith.constant 0 : i32
    return %arg0, %c0_i32, %c0_i32_0 : i32, i32, i32
  }
}

</mosaic_0001>

<sc_bundles>
// kernel: kernel.4.cloned.1.call-start
scs
__scs_entry_jumppad:
0x0: {  	(pc) =	sbr.rel $0x88, $3  }
0x1: {  	(tag) =	ssettag $0x0;
	lr =	simm.s32 $0x1  }
0x2: {  	[smem:$0x3F9E] =	sst lr;
	_ =	strace $0xD0000000  }
0x3: {  	_ = 	snop  }
0x4: {  	_ = 	snop  }
0x5: {  	_ = 	snop  }
0x6: {  	_ = 	snop  }
0x7: {  	_ = 	snop  }
__scs_overlays_trampoline_lowered:
0x8: {  	[smem:$0x3FAD] =	sst s0  }
0x9: {  	[smem:$0x3FAE] =	sst s1  }
0xa: {  	[smem:$0x3FAF] =	sst s2  }
0xb: {  	[smem:$0x3FB0] =	sst s3  }
0xc: {  	[smem:$0x3FB1] =	sst s4  }
0xd: {  	[smem:$0x3FB2] =	sst s5  }
0xe: {  	[smem:$0x3FB3] =	sst s6  }
0xf: {  	[smem:$0x3FB4] =	sst s7  }
0x10: {  	[smem:$0x3FB5] =	sst s8  }
0x11: {  	[smem:$0x3FB6] =	sst s9;
	s0 =	simm.s32 @!p0 $0x0  }
0x12: {  	s1 =	sld [smem:$0x3F9C];
	s0 =	simm.s32 @p0 $0x1  }
0x13: {  	[smem:$0x3FB7] =	sst s0;
	s0 =	simm.s32 @!p1 $0x0  }
0x14: {  	s2 =	sld [smem:$0x3F9B];
	s0 =	simm.s32 @p1 $0x1  }
0x15: {  	[smem:$0x3FB8] =	sst s0;
	s0 =	simm.s32 @!p2 $0x0  }
0x16: {  	s3 =	sld [smem:$0x3FDB];
	s0 =	simm.s32 @p2 $0x1  }
0x17: {  	s4 =	simm.s32 $0x1BF5;
	[smem:$0x3FBA] =	sst s0  }
0x18: {  	s0 =	sld [smem:$0x3F9D];
	_ =	swait.ge [sflag:s4], $0x0  }
0x19: {  	s7 =	sld [smem:$0x3F9E]  }
0x1a: {  	s8 =	sadd.s32 $0xFFFFE003, lr  }
0x1b: {  	s9 =	sadd.s32 $0xFFFFFEF7, lr;
	s5 =	simm.s32 $0xFFFFFFFF;
	p2 =	slt.u32 s8, $0xFFFFF086  }
0x1c: {  	p1 =	slt.u32 s9, $0xF7A;
	s5 =	simm.s32 @!p2 $0x0  }
0x1d: {  	s5 =	simm.s32 @p1 $0x1;
	p0 =	seq.s32 s7, s2  }
0x1e: {  	s7 =	smul.u32 @!p0 $0xF7A, s2;
	p2 =	seq.s32 @!p0 s5, $0x0  }
0x1f: {  	s9 =	smul.u32 $0xF7A, s1;
	s8 =	simm.s32 @!p0 $0x1BF5;
	p2 =	por !p2, p0  }
0x20: {  	[sflag:s8] =	ssyncset.s32 @!p0 $0xFFFFF086;
	s6 =	sadd.s32 @!p0 s3, s7;
	s7 =	simm.s32 @!p0 $0x108  }
0x21: {  	s3 =	sadd.s32 s3, s9;
	s6 =	sadd.s32 @!p0 $0x88, s6;
	s7 =	simm.s32 @p2 $0x1082  }
0x22: {  	[simem:s7], [sflag:s8] =	dma.local @!p0 [hbm:s6], $0xF7A  }
0x23: {  	s9 =	sor.u32 $0xD0000000, s2;
	s6 =	simm.s32 $0x108;
	_ =	swait.ge @!p0 [sflag:s8], $0x0  }
0x24: {  	s3 =	sadd.s32 $0x88, s3;
	s6 =	simm.s32 @!p1 $0x1082;
	[sflag:s4] =	ssyncset.s32 $0xFFFFF086  }
0x25: {  	[simem:s6], [sflag:s4] =	dma.local [hbm:s3], $0xF7A  }
0x26: {  	[smem:$0x3F9E] =	sst s1;
	(tag) =	ssettag s2;
	_ =	strace s9  }
0x27: {  	s1 =	sld [smem:$0x3FAE]  }
0x28: {  	s2 =	sld [smem:$0x3FAF]  }
0x29: {  	s4 =	sld [smem:$0x3FB1]  }
0x2a: {  	p0 =	seq.s32 s5, $0x0;
	s5 =	sld [smem:$0x3FB2]  }
0x2b: {  	s6 =	sld [smem:$0x3FB3]  }
0x2c: {  	s7 =	sld [smem:$0x3FB4]  }
0x2d: {  	s3 =	simm.s32 $0x108;
	s8 =	sld [smem:$0x3FB5]  }
0x2e: {  	s3 =	simm.s32 @!p0 $0x1082;
	s9 =	sld [smem:$0x3FB6]  }
0x2f: {  	lr =	sadd.s32 s0, s3;
	s0 =	sld [smem:$0x3FAD]  }
0x30: {  	s3 =	sld [smem:$0x3FB0]  }
0x31: {  	[smem:$0x3FB9] =	sst s10  }
0x32: {  	s10 =	sld [smem:$0x3FB7];
	_ =	sdelay $0x3  }
0x33: {  	p0 =	seq.s32 s10, $0x1;
	s10 =	sld [smem:$0x3FB9];
	_ =	sdelay $0x3  }
0x34: {  	[smem:$0x3FB9] =	sst s10  }
0x35: {  	s10 =	sld [smem:$0x3FB8];
	_ =	sdelay $0x3  }
0x36: {  	p1 =	seq.s32 s10, $0x1;
	s10 =	sld [smem:$0x3FB9];
	_ =	sdelay $0x3  }
0x37: {  	[smem:$0x3FB9] =	sst s10  }
0x38: {  	s10 =	sld [smem:$0x3FBA]  }
0x39: {  	_ = 	snop;
	(pc) =	sbr.ind lr, $3  }
0x3a: {  	_ = 	snop  }
0x3b: {  	_ = 	snop  }
0x3c: {  	p2 =	seq.s32 s10, $0x1;
	s10 =	sld [smem:$0x3FB9]  }
0x3d: {  	_ =	shalt  }
0x3e: {  	_ =	shalt  }
0x3f: {  	_ =	shalt  }
0x40: {  	_ =	shalt  }
0x41: {  	_ =	shalt  }
0x42: {  	_ =	shalt  }
0x43: {  	_ =	shalt  }
0x44: {  	_ =	shalt  }
0x45: {  	_ =	shalt  }
0x46: {  	_ =	shalt  }
0x47: {  	_ =	shalt  }
0x48: {  	_ =	shalt  }
0x49: {  	_ =	shalt  }
0x4a: {  	_ =	shalt  }
0x4b: {  	_ =	shalt  }
0x4c: {  	_ =	shalt  }
0x4d: {  	_ =	shalt  }
0x4e: {  	_ =	shalt  }
0x4f: {  	_ =	shalt  }
0x50: {  	_ =	shalt  }
0x51: {  	_ =	shalt  }
0x52: {  	_ =	shalt  }
0x53: {  	_ =	shalt  }
0x54: {  	_ =	shalt  }
0x55: {  	_ =	shalt  }
0x56: {  	_ =	shalt  }
0x57: {  	_ =	shalt  }
0x58: {  	_ =	shalt  }
0x59: {  	_ =	shalt  }
0x5a: {  	_ =	shalt  }
0x5b: {  	_ =	shalt  }
0x5c: {  	_ =	shalt  }
0x5d: {  	_ =	shalt  }
0x5e: {  	_ =	shalt  }
0x5f: {  	_ =	shalt  }
0x60: {  	_ =	shalt  }
0x61: {  	_ =	shalt  }
0x62: {  	_ =	shalt  }
0x63: {  	_ =	shalt  }
0x64: {  	_ =	shalt  }
0x65: {  	_ =	shalt  }
0x66: {  	_ =	shalt  }
0x67: {  	_ =	shalt  }
0x68: {  	_ =	shalt  }
0x69: {  	_ =	shalt  }
0x6a: {  	_ =	shalt  }
0x6b: {  	_ =	shalt  }
0x6c: {  	_ =	shalt  }
0x6d: {  	_ =	shalt  }
0x6e: {  	_ =	shalt  }
0x6f: {  	_ =	shalt  }
0x70: {  	_ =	shalt  }
0x71: {  	_ =	shalt  }
0x72: {  	_ =	shalt  }
0x73: {  	_ =	shalt  }
0x74: {  	_ =	shalt  }
0x75: {  	_ =	shalt  }
0x76: {  	_ =	shalt  }
0x77: {  	_ =	shalt  }
0x78: {  	_ =	shalt  }
0x79: {  	_ =	shalt  }
0x7a: {  	_ =	shalt  }
0x7b: {  	_ =	shalt  }
0x7c: {  	_ =	shalt  }
0x7d: {  	_ =	shalt  }
0x7e: {  	_ =	shalt  }
0x7f: {  	_ =	shalt  }
0x80: {  	_ =	shalt  }
0x81: {  	_ =	shalt  }
0x82: {  	_ =	shalt  }
0x83: {  	_ =	shalt  }
0x84: {  	_ =	shalt  }
0x85: {  	_ =	shalt  }
0x86: {  	_ =	shalt  }
0x87: {  	_ =	shalt  }
.Lfunc_end0:
.L_simem_size_0:
called_computation_lowered:
.L_overlay_start_0:
0x88: {  	s2 =	sld [smem:$0x3FD9]  }
0x89: {  	s3 =	sld [smem:$0x3FFE];
	_ =	sdelay $0x1  }
0x8a: {  	s1 =	srdreg.scid  }
0x8b: {  	s0 =	sand.u32 $0x1, s1  }
0x8c: {  	s14 =	sshll.u32 s0, $0xA;
	s2 =	sadd.s32 s3, s2  }
0x8d: {  	s2 =	sadd.s32 s2, s14  }
0x8e: {  	[smem:$0x3FC5] =	sst s2  }
0x8f: {  	_ = 	snop  }
0x90: {  	s2 =	sld [smem:$0x3FD0];
	_ =	sdelay $0x2  }
0x91: {  	s15 =	simm.s32 $0xA;
	s4 =	simm.s32 $0x10  }
0x92: {  	[smem:s4], [sflag:s15] =	dma.local [hbm:s2], $0x1  }
0x93: {  	_ =	swait.eq [sflag:s15], $0x1  }
0x94: {  	[sflag:s15] =	ssyncset.done $0x0  }
0x95: {  	s16 =	sld [smem:$0x10];
	[sflag:s15] =	ssyncadd.s32 $0xFFFFFFFF  }
0x96: {  	s17 =	sld [smem:$0x11];
	(tm) =	ssettm $0x1  }
0x97: {  	s18 =	sld [smem:$0x3FFB];
	_ =	sdelay $0x3  }
0x98: {  	_ =	strace s18  }
0x99: {  	s4 =	sld [smem:$0x3FFC];
	_ =	sdelay $0x3  }
0x9a: {  	_ =	strace s4  }
0x9b: {  	s4 =	sld [smem:$0x3FFD];
	_ =	sdelay $0x3  }
0x9c: {  	_ =	strace s4  }
0x9d: {  	_ =	strace $0x8FFFFFFF  }
0x9e: {  	s19 =	sld [smem:$0x3FDB];
	_ =	sdelay $0x1  }
0x9f: {  	s5 =	simm.s32 $_scs_section_size  }
0xa0: {  	s6 =	simm.s32 $_size__tile_overlayer_lowered;
	s7 =	simm.s32 $_tile_overlayer_lowered  }
0xa1: {  	s22 =	simm.s32 $0x1BFF;
	s21 =	sshll.u32 s7, $0x1;
	s4 =	sadd.s32 s5, s19  }
0xa2: {  	s8 =	simm.s32 $0x0;
	s20 =	sshll.u32 s6, $0x1;
	s6 =	sadd.s32 s21, s4  }
0xa3: {  	[timem:s8], [sflag:s22] =	dma.local [hbm:s6], s20  }
0xa4: {  	_ =	swait.ge [sflag:s22], s20  }
0xa5: {  	s5 =	ssub.s32 $0x0, s20;
	[sflag:s22] =	ssyncset.done $0x0  }
0xa6: {  	[sflag:s22] =	ssyncadd.s32 s5;
	_ =	sdelay $0x1  }
0xa7: {  	s23 =	simm.s32 $0x1B8B  }
0xa8: {  	_ =	swait.ge [sflag:s23], $0x1  }
0xa9: {  	[sflag:s23] =	ssyncset.done $0x0  }
0xaa: {  	s25 =	simm.s32 $0x1B8E;
	s24 =	sld [smem:$0x3FFE];
	[sflag:s23] =	ssyncadd.s32 $0xFFFFFFFF  }
0xab: {  	s26 =	simm.s32 $execute0_lowered;
	[smem:$0x3FD2] =	sst s25  }
0xac: {  	s6 =	sshll.u32 s26, $0x1;
	_ =	strace $0x80000046;
	[dreg:$0x1] =	wrdreg $0xFFFFFFFF  }
0xad: {  	s28 =	simm.s32 $_size_execute0_lowered;
	s4 =	sadd.s32 s4, s6;
	[dreg:$0x0] =	wrdreg $0x0  }
0xae: {  	s6 =	sshll.u32 s28, $0x1;
	[dreg:$0x2] =	wrdreg s4  }
0xaf: {  	[dreg:$0x3] =	wrdreg s6  }
0xb0: {  	[dreg:$0x4] =	wrdreg $0xC0  }
0xb1: {  	_ =	task [dreg:s8], $0x5FFFF  }
0xb2: {  	[dreg:$0x1] =	wrdreg $0xFFFFFFFF  }
0xb3: {  	[dreg:$0x0] =	wrdreg $0x60  }
0xb4: {  	[dreg:$0x2] =	wrdreg s16  }
0xb5: {  	[dreg:$0x3] =	wrdreg s17  }
0xb6: {  	[dreg:$0x4] =	wrdreg s24  }
0xb7: {  	[dreg:$0x5] =	wrdreg $0x9  }
0xb8: {  	_ =	task.clear_ibuf [dreg:s8], $0x6FFFF;
	_ =	strace $0x90000046  }
0xb9: {  	s29 =	simm.s32 $0x9;
	_ =	strace $0x80000048  }
0xba: {  	_ =	swait.ge [sflag:s29], $0x1  }
0xbb: {  	[sflag:s29] =	ssyncadd.s32 $0xFFFFFFFF  }
0xbc: {  	_ =	strace $0x90000048  }
0xbd: {  	_ =	sfence  }
0xbe: {  	s30 =	sld [smem:$0x0];
	_ =	sdelay $0x2  }
0xbf: {  	s31 =	sshll.u32 s1, $0xD;
	s1 =	sshrl.u32 s1, $0x2  }
0xc0: {  	s3 =	sand.u32 $0x4000, s31;
	s1 =	sadd.s32 s1, s30  }
0xc1: {  	s0 =	sor.u32 s3, s0;
	s1 =	sshll.u32 s1, $0x11  }
0xc2: {  	s0 =	sor.u32 s1, s0  }
0xc3: {  	s0 =	sadd.s32 $0x8F2B, s0  }
0xc4: {  	[sflag:s0] =	ssyncadd.remote.s32 $0x1  }
0xc5: {  	_ =	sfence.sel $0xFFFF  }
0xc6: {  	[dreg:$0x0] =	wrdreg $0xFFFFFFFF;
	(pc) =	sbr.abs _section_cstart, $3  }
0xc7: {  	[dreg:$0x1] =	wrdreg $0xFFFFFFFF  }
0xc8: {  	_ =	task.clear_ibuf [dreg:s8], $0x2FFFF;
	_ =	strace $0x9FFFFFFF  }
0xc9: {  	(tm) =	ssettm $0x7FFFFFFF  }
tec
execute0_lowered:
.L_overlay_start_1:
0x0: {  	(tag) =	ssettag $0x1  }
0x1: {  	s1 =	rddreg [dreg:$0x0];
	s2 =	srdreg.scid  }
0x2: {  	s4 =	rddreg [dreg:$0x1];
	s0 =	stileid.u32;
	s14 =	sand.u32 $0x1, s2  }
0x3: {  	s15 =	rddreg [dreg:$0x2];
	s5 =	sshll.u32 s0, $0xA;
	s6 =	sshll.u32 s14, $0x9  }
0x4: {  	s3 =	simm.s32 $0x0;
	s2 =	rddreg [dreg:$0x3];
	s16 =	sor.u32 s6, s5  }
0x5: {  	[smem:$0x7FF] =	sst s3;
	s5 =	sshrl.u32 s16, $0x3  }
0x6: {  	_ =	strace $0x80000047;
	s5 =	sadd.s32 s4, s5;
	s4 =	simm.s32 $0x2  }
0x7: {  	[tilespmem:s3], [sflag:$0x2] =	stream.linear.gather [hbm4b:s5+s3], $0x200, $0x38;
	[tilespmem:$0x10200] =	vst v63  }
0x8: {  	_ =	swait.ge [sflag:s4], $0x200  }
0x9: {  	[sflag:s4] =	ssyncset.done $0x0  }
0xa: {  	s7 =	simm.s32 $0x200;
	s6 =	simm.s32 $0x80;
	[sflag:s4] =	ssyncadd.s32 $0xFFFFFE00  }
0xb: {  	[tilespmem:s7], [sflag:$0x1] =	stream.indirect.gather [hbm4b:s1+s6], $0x80, s3, s6, $0xb8;
	[tilespmem:$0x10200] =	vst v63  }
0xc: {  	s8 =	simm.s32 $0x4200  }
0xd: {  	[tilespmem:s8], [sflag:$0x1] =	stream.indirect.gather [hbm4b:s1+s6], $0x80, s6, s6, $0xb8;
	[tilespmem:$0x10200] =	vst v63  }
0xe: {  	s9 =	simm.s32 $0x100;
	s10 =	simm.s32 $0x8200  }
0xf: {  	[tilespmem:s10], [sflag:$0x1] =	stream.indirect.gather [hbm4b:s1+s6], $0x80, s9, s6, $0xb8;
	[tilespmem:$0x10200] =	vst v63  }
0x10: {  	s11 =	simm.s32 $0x180;
	s12 =	simm.s32 $0xC200;
	s13 =	simm.s32 $0x1  }
0x11: {  	[tilespmem:s12], [sflag:$0x1] =	stream.indirect.gather [hbm4b:s1+s6], $0x80, s11, s6, $0xb8;
	[tilespmem:$0x10200] =	vst v63  }
0x12: {  	_ =	swait.ge [sflag:s13], $0x4000  }
0x13: {  	[sflag:s13] =	ssyncset.done $0x0  }
0x14: {  	[sflag:s13] =	ssyncadd.s32 $0xFFFFC000  }
0x15: {  	_ =	swait.ge [sflag:s13], $0x4000  }
0x16: {  	[sflag:s13] =	ssyncset.done $0x0  }
0x17: {  	s14 =	ssub.s32 $0x2, s14;
	[sflag:s13] =	ssyncadd.s32 $0xFFFFC000  }
0x18: {  	s17 =	sshrl.u32 s14, $0x1;
	_ =	swait.ge [sflag:s13], $0x4000  }
0x19: {  	s17 =	ssub.s32 s14, s17;
	[sflag:s13] =	ssyncset.done $0x0  }
0x1a: {  	s31 =	smax.u32 s17, $0x1;
	[sflag:s13] =	ssyncadd.s32 $0xFFFFC000  }
0x1b: {  	p0 =	sne.s32 s31, $0x1;
	_ =	swait.ge [sflag:s13], $0x4000  }
.Ltmp0:
0x1c: {  	s30 =	sshll.u32 s16, $0x4;
	[sflag:s13] =	ssyncset.done $0x0;
	(pc) =	sbr.rel @!p0 .LBB2_2-.Ltmp0, $4  }
0x1d: {  	s14 =	sadd.s32 s15, s30;
	[sflag:s13] =	ssyncadd.s32 $0xFFFFC000  }
0x1e: {  	[hbm4b:s14+s3] =	stream.linear.scatter [tilespmem:s7], [sflag:$0x2], $0x10000, $0x38;
	[tilespmem:$0x10200] =	vst v63  }
0x1f: {  	_ =	swait.ge [sflag:s4], $0x10000  }
0x20: {  	s15 =	sadd.s32 $0xFFFFFFFF, s31;
	[sflag:s4] =	ssyncset.done $0x0  }
.LBB2_1:
0x21: {  	p0 =	sne.s32 s15, $0x1;
	s15 =	sadd.s32 $0xFFFFFFFF, s15;
	[sflag:s4] =	ssyncadd.s32 $0xFFFF0000  }
0x22: {  	[tilespmem:s3], [sflag:$0x2] =	stream.linear.gather [hbm4b:s5+s3], $0x200, $0x38;
	[tilespmem:$0x10200] =	vst v63  }
0x23: {  	_ =	swait.ge [sflag:s4], $0x200  }
0x24: {  	[sflag:s4] =	ssyncset.done $0x0  }
0x25: {  	[sflag:s4] =	ssyncadd.s32 $0xFFFFFE00  }
0x26: {  	[tilespmem:s7], [sflag:$0x1] =	stream.indirect.gather [hbm4b:s1+s6], $0x80, s3, s6, $0xb8;
	[tilespmem:$0x10200] =	vst v63  }
0x27: {  	_ = 	snop  }
0x28: {  	[tilespmem:s8], [sflag:$0x1] =	stream.indirect.gather [hbm4b:s1+s6], $0x80, s6, s6, $0xb8;
	[tilespmem:$0x10200] =	vst v63  }
0x29: {  	_ = 	snop  }
0x2a: {  	[tilespmem:s10], [sflag:$0x1] =	stream.indirect.gather [hbm4b:s1+s6], $0x80, s9, s6, $0xb8;
	[tilespmem:$0x10200] =	vst v63  }
0x2b: {  	_ = 	snop  }
0x2c: {  	[tilespmem:s12], [sflag:$0x1] =	stream.indirect.gather [hbm4b:s1+s6], $0x80, s11, s6, $0xb8;
	[tilespmem:$0x10200] =	vst v63  }
0x2d: {  	_ =	swait.ge [sflag:s13], $0x4000  }
0x2e: {  	[sflag:s13] =	ssyncset.done $0x0  }
0x2f: {  	[sflag:s13] =	ssyncadd.s32 $0xFFFFC000  }
0x30: {  	_ =	swait.ge [sflag:s13], $0x4000  }
0x31: {  	[sflag:s13] =	ssyncset.done $0x0  }
0x32: {  	[sflag:s13] =	ssyncadd.s32 $0xFFFFC000  }
0x33: {  	_ =	swait.ge [sflag:s13], $0x4000  }
0x34: {  	[sflag:s13] =	ssyncset.done $0x0  }
0x35: {  	[sflag:s13] =	ssyncadd.s32 $0xFFFFC000  }
0x36: {  	_ =	swait.ge [sflag:s13], $0x4000  }
.Ltmp1:
0x37: {  	[sflag:s13] =	ssyncset.done $0x0;
	(pc) =	sbr.rel @p0 .LBB2_1-.Ltmp1, $4  }
0x38: {  	[sflag:s13] =	ssyncadd.s32 $0xFFFFC000  }
0x39: {  	[hbm4b:s14+s3] =	stream.linear.scatter [tilespmem:s7], [sflag:$0x2], $0x10000, $0x38;
	[tilespmem:$0x10200] =	vst v63  }
0x3a: {  	_ =	swait.ge [sflag:s4], $0x10000  }
0x3b: {  	[sflag:s4] =	ssyncset.done $0x0  }
.LBB2_2:
0x3c: {  	[sflag:s4] =	ssyncadd.s32 $0xFFFF0000  }
0x3d: {  	_ =	sfence.sel $0x180000  }
0x3e: {  	[bflag:$0x0] =	sbarrier.arrive $0xFFFF  }
0x3f: {  	p0 =	sne.s32 s0, $0x0;
	_ =	strace $0x90000047  }
0x40: {  	s0 =	sadd.s32 @!p0 $0x100000, s2;
	[bflag:$0x2] =	sbarrier.arrive $0xFFFF  }
0x41: {  	[sflag:s0] =	ssyncadd.tile.s32 @!p0 $0x1;
	_ =	shalt  }
.Lfunc_end2:
_tile_overlayer_lowered:
.L_overlay_start_2:
0x42: {  	(tag) =	ssettag $0x2  }
0x43: {  	s0 =	rddreg [dreg:$0x0];
	s2 =	stileid.u32  }
0x44: {  	s1 =	rddreg [dreg:$0x1];
	p0 =	sne.s32 s2, $0x0  }
0x45: {  	s3 =	rddreg [dreg:$0x2];
	[bflag:$0x3] =	sbarrier.arrive $0xFFFF;
	s2 =	simm.s32 @!p0 $0x1C02  }
0x46: {  	[timem:s3], [sflag:s2] =	dma.local @!p0 [hbm:s0], s1  }
0x47: {  	s0 =	simm.s32 @!p0 $0x2  }
0x48: {  	_ =	swait.ge @!p0 [sflag:s0], s1  }
0x49: {  	s1 =	ssub.s32 @!p0 $0x0, s1;
	[sflag:s0] =	ssyncset.done @!p0 $0x0  }
0x4a: {  	[sflag:s0] =	ssyncadd.s32 @!p0 s1  }
0x4b: {  	[bflag:$0x3] =	sbarrier.arrive $0xFFFF  }
0x4c: {  	_ =	shalt  }

</sc_bundles>
